<compile_context>
chip_gen: v7x
topology: tpu7x:2x2x1
jax: 0.10.2.dev20260603
libtpu: 0.0.44.dev20260713+nightly
codegen_flags: <defaults>
</compile_context>

<pallas_src>
import functools

import jax
import jax.numpy as jnp
from jax import lax
from jax.experimental import pallas as pl
from jax.experimental.pallas import tpu as pltpu
from jax.experimental.pallas import tpu_sc as plsc

EPS = 1e-8
QMAX = 128.0
G = 8192
GRID_R = 64
INV_W = 32.0


def _lut_build_body(centers_ref, thr_ref, tbl_ref):
    th = thr_ref[0]
    row = lax.broadcasted_iota(jnp.int32, (GRID_R, 128), 0)
    col = lax.broadcasted_iota(jnp.int32, (GRID_R, 128), 1)
    e_lo = (row * 128 + col).astype(jnp.float32) * (1.0 / INV_W) - QMAX
    e_hi = e_lo + (1.0 / INV_W)
    big = jnp.full((GRID_R, 128), 3.4e38, jnp.float32)
    zero = jnp.zeros((GRID_R, 128), jnp.float32)

    def body(k, carry):
        bd_lo, bv_lo, bd_hi, bv_hi = carry
        c = centers_ref[k]
        d_lo = jnp.abs(e_lo - c)
        d_hi = jnp.abs(e_hi - c)
        m_lo = d_lo < bd_lo
        m_hi = d_hi < bd_hi
        return (jnp.where(m_lo, d_lo, bd_lo), jnp.where(m_lo, c, bv_lo),
                jnp.where(m_hi, d_hi, bd_hi), jnp.where(m_hi, c, bv_hi))

    _, bv_lo, _, bv_hi = lax.fori_loop(0, 256, body, (big, zero, big, zero))
    x_per_t = (th + EPS) / QMAX
    out_scale = th / QMAX
    tbl_ref[pl.ds(0, GRID_R), :] = (bv_lo + bv_hi) * (0.5 * x_per_t)
    tbl_ref[pl.ds(GRID_R, GRID_R), :] = bv_lo * out_scale
    tbl_ref[pl.ds(2 * GRID_R, GRID_R), :] = bv_hi * out_scale
    a = (QMAX * INV_W) / (th + EPS)
    tbl_ref[pl.ds(3 * GRID_R, 8), :] = jnp.full((8, 128), a, jnp.float32)


_lut_build = pl.pallas_call(
    _lut_build_body,
    in_specs=[pl.BlockSpec(memory_space=pltpu.SMEM),
              pl.BlockSpec(memory_space=pltpu.SMEM)],
    out_specs=[pl.BlockSpec(memory_space=pltpu.VMEM)],
    out_shape=[jax.ShapeDtypeStruct((3 * GRID_R + 8, 128), jnp.float32)],
)


@functools.lru_cache(maxsize=None)
def _make_sc(n_rows, c, n_chunks):
    info = plsc.get_sparse_core_info()
    nc, ns = info.num_cores, info.num_subcores
    nw = nc * ns
    per_w = n_rows // nw
    ch = per_w // n_chunks
    assert per_w * nw == n_rows and ch * n_chunks == per_w and c % 16 == 0
    cols = []
    off = 0
    while off < c:
        cw = min(128, c - off)
        cols.append((off, cw))
        off += cw
    mesh = plsc.VectorSubcoreMesh(core_axis_name="c", subcore_axis_name="s")
    buf_types = []
    for _ in range(4):
        buf_types.extend(pltpu.VMEM((ch, cw), jnp.float32) for _, cw in cols)

    @functools.partial(
        pl.kernel,
        out_type=jax.ShapeDtypeStruct((n_rows, c), jnp.float32),
        mesh=mesh,
        scratch_types=[
            pltpu.VMEM(((3 * GRID_R + 8) * 128,), jnp.float32),
            *buf_types,
            pltpu.SemaphoreType.DMA,
            pltpu.SemaphoreType.DMA,
            pltpu.SemaphoreType.DMA,
            pltpu.SemaphoreType.DMA,
        ],
        compiler_params=pltpu.CompilerParams(needs_layout_passes=False),
    )
    def sc_fn(x_hbm, tbl_hbm, out_hbm, tbl_v, *rest):
        ncol = len(cols)
        bufs = rest[:4 * ncol]
        si0, si1, so0, so1 = rest[4 * ncol:]
        inb = (bufs[0:ncol], bufs[ncol:2 * ncol])
        outb = (bufs[2 * ncol:3 * ncol], bufs[3 * ncol:4 * ncol])
        sin, sout = (si0, si1), (so0, so1)
        wid = lax.axis_index("s") * nc + lax.axis_index("c")
        base = wid * per_w

        def in_copies(g, b):
            return [pltpu.make_async_copy(
                x_hbm.at[pl.ds(base + g * ch, ch), pl.ds(o, cw)],
                inb[b][k], sin[b]) for k, (o, cw) in enumerate(cols)]

        def out_copies(g, b):
            return [pltpu.make_async_copy(
                outb[b][k],
                out_hbm.at[pl.ds(base + g * ch, ch), pl.ds(o, cw)],
                sout[b]) for k, (o, cw) in enumerate(cols)]

        for cp in in_copies(0, 0):
            cp.start()
        pltpu.sync_copy(tbl_hbm, tbl_v)
        if n_chunks > 1:
            for cp in in_copies(1, 1):
                cp.start()
        av = tbl_v[pl.ds(3 * G, 16)]

        for g in range(n_chunks):
            b = g & 1
            for cp in in_copies(g, b):
                cp.wait()
            if g >= 2:
                for cp in out_copies(g - 2, b):
                    cp.wait()
            ibs, obs = inb[b], outb[b]

            @functools.partial(plsc.parallel_loop, 0, ch, unroll=2)
            def _(i, ibs=ibs, obs=obs):
                for k, (_, cw) in enumerate(cols):
                    for l in range(cw // 16):
                        xv = ibs[k][i, pl.ds(l * 16, 16)]
                        jf = xv * av + 4096.0
                        ji = jf.astype(jnp.int32)
                        ji = jnp.minimum(jnp.maximum(ji, 0), G - 1)
                        bpv = plsc.load_gather(tbl_v, [ji])
                        sel = jnp.where(xv > bpv, 2 * G, G)
                        vv = plsc.load_gather(tbl_v, [ji + sel])
                        obs[k][i, pl.ds(l * 16, 16)] = vv

            for cp in out_copies(g, b):
                cp.start()
            if g + 2 < n_chunks:
                for cp in in_copies(g + 2, b):
                    cp.start()
        if n_chunks >= 2:
            for cp in out_copies(n_chunks - 2, (n_chunks - 2) & 1):
                cp.wait()
        for cp in out_copies(n_chunks - 1, (n_chunks - 1) & 1):
            cp.wait()

    return sc_fn


def kernel(input_data, cluster_centers, threshold):
    [tbl2] = _lut_build(cluster_centers, threshold)
    tbl = tbl2.reshape(-1)
    b, h, w, c = input_data.shape
    xt = input_data.transpose(0, 1, 3, 2)
    n_rows = b * h * c
    x2 = xt.reshape(n_rows, w)
    out = _make_sc(n_rows, w, 14)(x2, tbl)
    return out.reshape(b, h, c, w).transpose(0, 1, 3, 2)

# --- scband reference (transcript-rebuilt; emitter-appended) ---
"""Pipeline reference for scband-lutfake-quant-27470610825414 (READ-ONLY COPY).

The authoritative reference and input builder live on the scoring server;
editing this copy changes nothing except your own understanding.
"""

import jax, jax.numpy as jnp
import numpy as np

MULTIPLIER_N_BITS = 8
EPS = 1e-8
SIGNED = True


def _int_quantization_with_threshold(data, threshold, n_bits, signed=SIGNED, eps=EPS):
    if signed:
        clip_max = 2 ** (n_bits - 1) - 1
        clip_min = -2 ** (n_bits - 1)
    else:
        clip_max = 2 ** n_bits - 1
        clip_min = 0
    return jnp.clip(data / (threshold + eps) * 2 ** (n_bits - int(signed)), clip_min, clip_max)


def _lut_kmeans_quantizer(input_data, cluster_centers, threshold):
    t = _int_quantization_with_threshold(input_data, threshold, MULTIPLIER_N_BITS)
    flat = t.reshape(-1)
    n = flat.shape[0]
    chunk = 21504  # 224 * 96; n (= 2*224*224*96) is divisible by this
    chunks = flat.reshape(n // chunk, chunk)

    def assign(c):
        d = jnp.abs(c[:, None] - cluster_centers[None, :])
        return jnp.argmin(d, axis=-1)

    # chunked argmin: same math as tf.argmin(tf.abs(tensor[..., None] - centers), -1)
    # but bounds the broadcast intermediate to chunk*K elements.
    assignments = jax.lax.stop_gradient(jax.lax.map(assign, chunks)).reshape(t.shape)
    centers = jnp.take(cluster_centers, assignments, axis=0)
    return centers / 2 ** (MULTIPLIER_N_BITS - int(SIGNED)) * threshold


def setup_inputs(seed: int = 0):
    key = jax.random.key(seed)
    k1, k2 = jax.random.split(key)
    input_data = jax.random.normal(k1, (2, 224, 224, 96), dtype=jnp.float32)
    cluster_centers = jax.random.uniform(k2, (256,), dtype=jnp.float32, minval=-128.0, maxval=127.0)
    threshold = jnp.array([4.0], dtype=jnp.float32)
    return {"input_data": input_data, "cluster_centers": cluster_centers, "threshold": threshold}


def reference(input_data, cluster_centers, threshold):
    return _lut_kmeans_quantizer(input_data, cluster_centers, threshold)

if __name__ == "__main__":
    import jax
    _d = setup_inputs()
    print(jax.jit(kernel)(*tuple(_d.values())))

</pallas_src>

<mosaic_0001>
#map = affine_map<(d0, d1) -> (0, 0)>
#map1 = affine_map<(d0, d1) -> (0)>
module attributes {stable_mosaic.version = 14 : i64} {
  func.func @sc_fn(%arg0: i32, %arg1: i32, %arg2: memref<43008x224xf32, #tpu.memory_space<hbm>>, %arg3: memref<25600xf32, #tpu.memory_space<hbm>>, %arg4: memref<43008x224xf32, #tpu.memory_space<hbm>>, %arg5: memref<25600xf32, #tpu.memory_space<vmem>>, %arg6: memref<96x128xf32, #tpu.memory_space<vmem>>, %arg7: memref<96x96xf32, #tpu.memory_space<vmem>>, %arg8: memref<96x128xf32, #tpu.memory_space<vmem>>, %arg9: memref<96x96xf32, #tpu.memory_space<vmem>>, %arg10: memref<96x128xf32, #tpu.memory_space<vmem>>, %arg11: memref<96x96xf32, #tpu.memory_space<vmem>>, %arg12: memref<96x128xf32, #tpu.memory_space<vmem>>, %arg13: memref<96x96xf32, #tpu.memory_space<vmem>>, %arg14: memref<!tpu.dma_semaphore, #tpu.memory_space<semaphore_mem>>, %arg15: memref<!tpu.dma_semaphore, #tpu.memory_space<semaphore_mem>>, %arg16: memref<!tpu.dma_semaphore, #tpu.memory_space<semaphore_mem>>, %arg17: memref<!tpu.dma_semaphore, #tpu.memory_space<semaphore_mem>>) attributes {dimension_semantics = [#tpu.dimension_semantics<core_parallel>, #tpu.dimension_semantics<subcore_parallel>], iteration_bounds = array<i64: 2, 16>, scalar_prefetch = 0 : i64, scratch_operands = 13 : i64, tpu.core_type = #tpu.core_type<sc_vector_subcore>, window_params = [{transform_indices = #map}, {transform_indices = #map1}, {transform_indices = #map}]} {
    %mul3A = arith.constant 2 : i32
    %mul3A_0 = arith.muli %arg1, %mul3A : i32
    %add3A = arith.addi %mul3A_0, %arg0 : i32
    %mul3A_1 = arith.constant 1344 : i32
    %mul3A_2 = arith.muli %add3A, %mul3A_1 : i32
    %add3A_3 = arith.constant 0 : i32
    %add3A_4 = arith.addi %mul3A_2, %add3A_3 : i32
    %add3A_5 = arith.constant 0 : i32
    %add3A_6 = arith.addi %mul3A_2, %add3A_5 : i32
    %dma_start3A = arith.constant 0 : i32
    %dma_start3A_7 = tpu.memref_slice %arg2[%add3A_4, %dma_start3A] : memref<43008x224xf32, #tpu.memory_space<hbm>> -> memref<96x128xf32, #tpu.memory_space<hbm>>
    %dma_start3A_8 = arith.constant 0 : i32
    %dma_start3A_9 = tpu.memref_slice %arg2[%add3A_4, %dma_start3A_8] : memref<43008x224xf32, #tpu.memory_space<hbm>> -> memref<96x128xf32, #tpu.memory_space<hbm>>
    tpu.enqueue_dma source(%dma_start3A_9 : memref<96x128xf32, #tpu.memory_space<hbm>>) target(%arg6 : memref<96x128xf32, #tpu.memory_space<vmem>>) target_semaphore(%arg14 : memref<!tpu.dma_semaphore, #tpu.memory_space<semaphore_mem>>)
    %dma_start3A_10 = arith.constant 128 : i32
    %dma_start3A_11 = tpu.memref_slice %arg2[%add3A_6, %dma_start3A_10] : memref<43008x224xf32, #tpu.memory_space<hbm>> -> memref<96x96xf32, #tpu.memory_space<hbm>>
    %dma_start3A_12 = arith.constant 128 : i32
    %dma_start3A_13 = tpu.memref_slice %arg2[%add3A_6, %dma_start3A_12] : memref<43008x224xf32, #tpu.memory_space<hbm>> -> memref<96x96xf32, #tpu.memory_space<hbm>>
    tpu.enqueue_dma source(%dma_start3A_13 : memref<96x96xf32, #tpu.memory_space<hbm>>) target(%arg7 : memref<96x96xf32, #tpu.memory_space<vmem>>) target_semaphore(%arg14 : memref<!tpu.dma_semaphore, #tpu.memory_space<semaphore_mem>>)
    "tpu.region"() ({
      %run_scoped3A = tpu.sem_alloc : memref<!tpu.dma_semaphore, #tpu.memory_space<semaphore_mem>>
      tpu.enqueue_dma source(%arg3 : memref<25600xf32, #tpu.memory_space<hbm>>) target(%arg5 : memref<25600xf32, #tpu.memory_space<vmem>>) target_semaphore(%run_scoped3A : memref<!tpu.dma_semaphore, #tpu.memory_space<semaphore_mem>>)
      tpu.wait_dma2 semaphore(%run_scoped3A : memref<!tpu.dma_semaphore, #tpu.memory_space<semaphore_mem>>) src(%arg3 : memref<25600xf32, #tpu.memory_space<hbm>>) dst(%arg5 : memref<25600xf32, #tpu.memory_space<vmem>>)
      tpu.yield
    }) : () -> ()
    %add3A_14 = arith.constant 96 : i32
    %add3A_15 = arith.addi %mul3A_2, %add3A_14 : i32
    %add3A_16 = arith.constant 96 : i32
    %add3A_17 = arith.addi %mul3A_2, %add3A_16 : i32
    %dma_start3A_18 = arith.constant 0 : i32
    %dma_start3A_19 = tpu.memref_slice %arg2[%add3A_15, %dma_start3A_18] : memref<43008x224xf32, #tpu.memory_space<hbm>> -> memref<96x128xf32, #tpu.memory_space<hbm>>
    %dma_start3A_20 = arith.constant 0 : i32
    %dma_start3A_21 = tpu.memref_slice %arg2[%add3A_15, %dma_start3A_20] : memref<43008x224xf32, #tpu.memory_space<hbm>> -> memref<96x128xf32, #tpu.memory_space<hbm>>
    tpu.enqueue_dma source(%dma_start3A_21 : memref<96x128xf32, #tpu.memory_space<hbm>>) target(%arg8 : memref<96x128xf32, #tpu.memory_space<vmem>>) target_semaphore(%arg15 : memref<!tpu.dma_semaphore, #tpu.memory_space<semaphore_mem>>)
    %dma_start3A_22 = arith.constant 128 : i32
    %dma_start3A_23 = tpu.memref_slice %arg2[%add3A_17, %dma_start3A_22] : memref<43008x224xf32, #tpu.memory_space<hbm>> -> memref<96x96xf32, #tpu.memory_space<hbm>>
    %dma_start3A_24 = arith.constant 128 : i32
    %dma_start3A_25 = tpu.memref_slice %arg2[%add3A_17, %dma_start3A_24] : memref<43008x224xf32, #tpu.memory_space<hbm>> -> memref<96x96xf32, #tpu.memory_space<hbm>>
    tpu.enqueue_dma source(%dma_start3A_25 : memref<96x96xf32, #tpu.memory_space<hbm>>) target(%arg9 : memref<96x96xf32, #tpu.memory_space<vmem>>) target_semaphore(%arg15 : memref<!tpu.dma_semaphore, #tpu.memory_space<semaphore_mem>>)
    %get3A = arith.constant 24576 : index
    %get3A_26 = tpu.vector_load %arg5[%get3A] {strides = array<i32>} : memref<25600xf32, #tpu.memory_space<vmem>>, vector<16xf32>,
    %add3A_27 = arith.constant 0 : i32
    %add3A_28 = arith.addi %mul3A_2, %add3A_27 : i32
    %add3A_29 = arith.constant 0 : i32
    %add3A_30 = arith.addi %mul3A_2, %add3A_29 : i32
    %dma_wait3A = arith.constant 0 : i32
    %dma_wait3A_31 = tpu.memref_slice %arg2[%add3A_28, %dma_wait3A] : memref<43008x224xf32, #tpu.memory_space<hbm>> -> memref<96x128xf32, #tpu.memory_space<hbm>>
    %dma_wait3A_32 = arith.constant 0 : i32
    %dma_wait3A_33 = tpu.memref_slice %arg2[%add3A_28, %dma_wait3A_32] : memref<43008x224xf32, #tpu.memory_space<hbm>> -> memref<96x128xf32, #tpu.memory_space<hbm>>
    tpu.wait_dma2 semaphore(%arg14 : memref<!tpu.dma_semaphore, #tpu.memory_space<semaphore_mem>>) src(%dma_wait3A_33 : memref<96x128xf32, #tpu.memory_space<hbm>>) dst(%arg6 : memref<96x128xf32, #tpu.memory_space<vmem>>)
    %dma_wait3A_34 = arith.constant 128 : i32
    %dma_wait3A_35 = tpu.memref_slice %arg2[%add3A_30, %dma_wait3A_34] : memref<43008x224xf32, #tpu.memory_space<hbm>> -> memref<96x96xf32, #tpu.memory_space<hbm>>
    %dma_wait3A_36 = arith.constant 128 : i32
    %dma_wait3A_37 = tpu.memref_slice %arg2[%add3A_30, %dma_wait3A_36] : memref<43008x224xf32, #tpu.memory_space<hbm>> -> memref<96x96xf32, #tpu.memory_space<hbm>>
    tpu.wait_dma2 semaphore(%arg14 : memref<!tpu.dma_semaphore, #tpu.memory_space<semaphore_mem>>) src(%dma_wait3A_37 : memref<96x96xf32, #tpu.memory_space<hbm>>) dst(%arg7 : memref<96x96xf32, #tpu.memory_space<vmem>>)
    %add3A_38 = arith.constant 0 : i32
    %add3A_39 = arith.addi %mul3A_2, %add3A_38 : i32
    %add3A_40 = arith.constant 0 : i32
    %add3A_41 = arith.addi %mul3A_2, %add3A_40 : i32
    %dma_start3A_42 = arith.constant 0 : i32
    %dma_start3A_43 = tpu.memref_slice %arg4[%add3A_39, %dma_start3A_42] : memref<43008x224xf32, #tpu.memory_space<hbm>> -> memref<96x128xf32, #tpu.memory_space<hbm>>
    %dma_start3A_44 = arith.constant 0 : i32
    %dma_start3A_45 = tpu.memref_slice %arg4[%add3A_39, %dma_start3A_44] : memref<43008x224xf32, #tpu.memory_space<hbm>> -> memref<96x128xf32, #tpu.memory_space<hbm>>
    tpu.enqueue_dma source(%arg10 : memref<96x128xf32, #tpu.memory_space<vmem>>) target(%dma_start3A_45 : memref<96x128xf32, #tpu.memory_space<hbm>>) target_semaphore(%arg16 : memref<!tpu.dma_semaphore, #tpu.memory_space<semaphore_mem>>)
    %dma_start3A_46 = arith.constant 128 : i32
    %dma_start3A_47 = tpu.memref_slice %arg4[%add3A_41, %dma_start3A_46] : memref<43008x224xf32, #tpu.memory_space<hbm>> -> memref<96x96xf32, #tpu.memory_space<hbm>>
    %dma_start3A_48 = arith.constant 128 : i32
    %dma_start3A_49 = tpu.memref_slice %arg4[%add3A_41, %dma_start3A_48] : memref<43008x224xf32, #tpu.memory_space<hbm>> -> memref<96x96xf32, #tpu.memory_space<hbm>>
    tpu.enqueue_dma source(%arg11 : memref<96x96xf32, #tpu.memory_space<vmem>>) target(%dma_start3A_49 : memref<96x96xf32, #tpu.memory_space<hbm>>) target_semaphore(%arg16 : memref<!tpu.dma_semaphore, #tpu.memory_space<semaphore_mem>>)
    %add3A_50 = arith.constant 192 : i32
    %add3A_51 = arith.addi %mul3A_2, %add3A_50 : i32
    %add3A_52 = arith.constant 192 : i32
    %add3A_53 = arith.addi %mul3A_2, %add3A_52 : i32
    %dma_start3A_54 = arith.constant 0 : i32
    %dma_start3A_55 = tpu.memref_slice %arg2[%add3A_51, %dma_start3A_54] : memref<43008x224xf32, #tpu.memory_space<hbm>> -> memref<96x128xf32, #tpu.memory_space<hbm>>
    %dma_start3A_56 = arith.constant 0 : i32
    %dma_start3A_57 = tpu.memref_slice %arg2[%add3A_51, %dma_start3A_56] : memref<43008x224xf32, #tpu.memory_space<hbm>> -> memref<96x128xf32, #tpu.memory_space<hbm>>
    tpu.enqueue_dma source(%dma_start3A_57 : memref<96x128xf32, #tpu.memory_space<hbm>>) target(%arg6 : memref<96x128xf32, #tpu.memory_space<vmem>>) target_semaphore(%arg14 : memref<!tpu.dma_semaphore, #tpu.memory_space<semaphore_mem>>)
    %dma_start3A_58 = arith.constant 128 : i32
    %dma_start3A_59 = tpu.memref_slice %arg2[%add3A_53, %dma_start3A_58] : memref<43008x224xf32, #tpu.memory_space<hbm>> -> memref<96x96xf32, #tpu.memory_space<hbm>>
    %dma_start3A_60 = arith.constant 128 : i32
    %dma_start3A_61 = tpu.memref_slice %arg2[%add3A_53, %dma_start3A_60] : memref<43008x224xf32, #tpu.memory_space<hbm>> -> memref<96x96xf32, #tpu.memory_space<hbm>>
    tpu.enqueue_dma source(%dma_start3A_61 : memref<96x96xf32, #tpu.memory_space<hbm>>) target(%arg7 : memref<96x96xf32, #tpu.memory_space<vmem>>) target_semaphore(%arg14 : memref<!tpu.dma_semaphore, #tpu.memory_space<semaphore_mem>>)
    %add3A_62 = arith.constant 96 : i32
    %add3A_63 = arith.addi %mul3A_2, %add3A_62 : i32
    %add3A_64 = arith.constant 96 : i32
    %add3A_65 = arith.addi %mul3A_2, %add3A_64 : i32
    %dma_wait3A_66 = arith.constant 0 : i32
    %dma_wait3A_67 = tpu.memref_slice %arg2[%add3A_63, %dma_wait3A_66] : memref<43008x224xf32, #tpu.memory_space<hbm>> -> memref<96x128xf32, #tpu.memory_space<hbm>>
    %dma_wait3A_68 = arith.constant 0 : i32
    %dma_wait3A_69 = tpu.memref_slice %arg2[%add3A_63, %dma_wait3A_68] : memref<43008x224xf32, #tpu.memory_space<hbm>> -> memref<96x128xf32, #tpu.memory_space<hbm>>
    tpu.wait_dma2 semaphore(%arg15 : memref<!tpu.dma_semaphore, #tpu.memory_space<semaphore_mem>>) src(%dma_wait3A_69 : memref<96x128xf32, #tpu.memory_space<hbm>>) dst(%arg8 : memref<96x128xf32, #tpu.memory_space<vmem>>)
    %dma_wait3A_70 = arith.constant 128 : i32
    %dma_wait3A_71 = tpu.memref_slice %arg2[%add3A_65, %dma_wait3A_70] : memref<43008x224xf32, #tpu.memory_space<hbm>> -> memref<96x96xf32, #tpu.memory_space<hbm>>
    %dma_wait3A_72 = arith.constant 128 : i32
    %dma_wait3A_73 = tpu.memref_slice %arg2[%add3A_65, %dma_wait3A_72] : memref<43008x224xf32, #tpu.memory_space<hbm>> -> memref<96x96xf32, #tpu.memory_space<hbm>>
    tpu.wait_dma2 semaphore(%arg15 : memref<!tpu.dma_semaphore, #tpu.memory_space<semaphore_mem>>) src(%dma_wait3A_73 : memref<96x96xf32, #tpu.memory_space<hbm>>) dst(%arg9 : memref<96x96xf32, #tpu.memory_space<vmem>>)
    %add3A_74 = arith.constant 96 : i32
    %add3A_75 = arith.addi %mul3A_2, %add3A_74 : i32
    %add3A_76 = arith.constant 96 : i32
    %add3A_77 = arith.addi %mul3A_2, %add3A_76 : i32
    %dma_start3A_78 = arith.constant 0 : i32
    %dma_start3A_79 = tpu.memref_slice %arg4[%add3A_75, %dma_start3A_78] : memref<43008x224xf32, #tpu.memory_space<hbm>> -> memref<96x128xf32, #tpu.memory_space<hbm>>
    %dma_start3A_80 = arith.constant 0 : i32
    %dma_start3A_81 = tpu.memref_slice %arg4[%add3A_75, %dma_start3A_80] : memref<43008x224xf32, #tpu.memory_space<hbm>> -> memref<96x128xf32, #tpu.memory_space<hbm>>
    tpu.enqueue_dma source(%arg12 : memref<96x128xf32, #tpu.memory_space<vmem>>) target(%dma_start3A_81 : memref<96x128xf32, #tpu.memory_space<hbm>>) target_semaphore(%arg17 : memref<!tpu.dma_semaphore, #tpu.memory_space<semaphore_mem>>)
    %dma_start3A_82 = arith.constant 128 : i32
    %dma_start3A_83 = tpu.memref_slice %arg4[%add3A_77, %dma_start3A_82] : memref<43008x224xf32, #tpu.memory_space<hbm>> -> memref<96x96xf32, #tpu.memory_space<hbm>>
    %dma_start3A_84 = arith.constant 128 : i32
    %dma_start3A_85 = tpu.memref_slice %arg4[%add3A_77, %dma_start3A_84] : memref<43008x224xf32, #tpu.memory_space<hbm>> -> memref<96x96xf32, #tpu.memory_space<hbm>>
    tpu.enqueue_dma source(%arg13 : memref<96x96xf32, #tpu.memory_space<vmem>>) target(%dma_start3A_85 : memref<96x96xf32, #tpu.memory_space<hbm>>) target_semaphore(%arg17 : memref<!tpu.dma_semaphore, #tpu.memory_space<semaphore_mem>>)
    %add3A_86 = arith.constant 288 : i32
    %add3A_87 = arith.addi %mul3A_2, %add3A_86 : i32
    %add3A_88 = arith.constant 288 : i32
    %add3A_89 = arith.addi %mul3A_2, %add3A_88 : i32
    %dma_start3A_90 = arith.constant 0 : i32
    %dma_start3A_91 = tpu.memref_slice %arg2[%add3A_87, %dma_start3A_90] : memref<43008x224xf32, #tpu.memory_space<hbm>> -> memref<96x128xf32, #tpu.memory_space<hbm>>
    %dma_start3A_92 = arith.constant 0 : i32
    %dma_start3A_93 = tpu.memref_slice %arg2[%add3A_87, %dma_start3A_92] : memref<43008x224xf32, #tpu.memory_space<hbm>> -> memref<96x128xf32, #tpu.memory_space<hbm>>
    tpu.enqueue_dma source(%dma_start3A_93 : memref<96x128xf32, #tpu.memory_space<hbm>>) target(%arg8 : memref<96x128xf32, #tpu.memory_space<vmem>>) target_semaphore(%arg15 : memref<!tpu.dma_semaphore, #tpu.memory_space<semaphore_mem>>)
    %dma_start3A_94 = arith.constant 128 : i32
    %dma_start3A_95 = tpu.memref_slice %arg2[%add3A_89, %dma_start3A_94] : memref<43008x224xf32, #tpu.memory_space<hbm>> -> memref<96x96xf32, #tpu.memory_space<hbm>>
    %dma_start3A_96 = arith.constant 128 : i32
    %dma_start3A_97 = tpu.memref_slice %arg2[%add3A_89, %dma_start3A_96] : memref<43008x224xf32, #tpu.memory_space<hbm>> -> memref<96x96xf32, #tpu.memory_space<hbm>>
    tpu.enqueue_dma source(%dma_start3A_97 : memref<96x96xf32, #tpu.memory_space<hbm>>) target(%arg9 : memref<96x96xf32, #tpu.memory_space<vmem>>) target_semaphore(%arg15 : memref<!tpu.dma_semaphore, #tpu.memory_space<semaphore_mem>>)
    %add3A_98 = arith.constant 192 : i32
    %add3A_99 = arith.addi %mul3A_2, %add3A_98 : i32
    %add3A_100 = arith.constant 192 : i32
    %add3A_101 = arith.addi %mul3A_2, %add3A_100 : i32
    %dma_wait3A_102 = arith.constant 0 : i32
    %dma_wait3A_103 = tpu.memref_slice %arg2[%add3A_99, %dma_wait3A_102] : memref<43008x224xf32, #tpu.memory_space<hbm>> -> memref<96x128xf32, #tpu.memory_space<hbm>>
    %dma_wait3A_104 = arith.constant 0 : i32
    %dma_wait3A_105 = tpu.memref_slice %arg2[%add3A_99, %dma_wait3A_104] : memref<43008x224xf32, #tpu.memory_space<hbm>> -> memref<96x128xf32, #tpu.memory_space<hbm>>
    tpu.wait_dma2 semaphore(%arg14 : memref<!tpu.dma_semaphore, #tpu.memory_space<semaphore_mem>>) src(%dma_wait3A_105 : memref<96x128xf32, #tpu.memory_space<hbm>>) dst(%arg6 : memref<96x128xf32, #tpu.memory_space<vmem>>)
    %dma_wait3A_106 = arith.constant 128 : i32
    %dma_wait3A_107 = tpu.memref_slice %arg2[%add3A_101, %dma_wait3A_106] : memref<43008x224xf32, #tpu.memory_space<hbm>> -> memref<96x96xf32, #tpu.memory_space<hbm>>
    %dma_wait3A_108 = arith.constant 128 : i32
    %dma_wait3A_109 = tpu.memref_slice %arg2[%add3A_101, %dma_wait3A_108] : memref<43008x224xf32, #tpu.memory_space<hbm>> -> memref<96x96xf32, #tpu.memory_space<hbm>>
    tpu.wait_dma2 semaphore(%arg14 : memref<!tpu.dma_semaphore, #tpu.memory_space<semaphore_mem>>) src(%dma_wait3A_109 : memref<96x96xf32, #tpu.memory_space<hbm>>) dst(%arg7 : memref<96x96xf32, #tpu.memory_space<vmem>>)
    %add3A_110 = arith.constant 0 : i32
    %add3A_111 = arith.addi %mul3A_2, %add3A_110 : i32
    %add3A_112 = arith.constant 0 : i32
    %add3A_113 = arith.addi %mul3A_2, %add3A_112 : i32
    %dma_wait3A_114 = arith.constant 0 : i32
    %dma_wait3A_115 = tpu.memref_slice %arg4[%add3A_111, %dma_wait3A_114] : memref<43008x224xf32, #tpu.memory_space<hbm>> -> memref<96x128xf32, #tpu.memory_space<hbm>>
    %dma_wait3A_116 = arith.constant 0 : i32
    %dma_wait3A_117 = tpu.memref_slice %arg4[%add3A_111, %dma_wait3A_116] : memref<43008x224xf32, #tpu.memory_space<hbm>> -> memref<96x128xf32, #tpu.memory_space<hbm>>
    tpu.wait_dma2 semaphore(%arg16 : memref<!tpu.dma_semaphore, #tpu.memory_space<semaphore_mem>>) src(%arg10 : memref<96x128xf32, #tpu.memory_space<vmem>>) dst(%dma_wait3A_117 : memref<96x128xf32, #tpu.memory_space<hbm>>)
    %dma_wait3A_118 = arith.constant 128 : i32
    %dma_wait3A_119 = tpu.memref_slice %arg4[%add3A_113, %dma_wait3A_118] : memref<43008x224xf32, #tpu.memory_space<hbm>> -> memref<96x96xf32, #tpu.memory_space<hbm>>
    %dma_wait3A_120 = arith.constant 128 : i32
    %dma_wait3A_121 = tpu.memref_slice %arg4[%add3A_113, %dma_wait3A_120] : memref<43008x224xf32, #tpu.memory_space<hbm>> -> memref<96x96xf32, #tpu.memory_space<hbm>>
    tpu.wait_dma2 semaphore(%arg16 : memref<!tpu.dma_semaphore, #tpu.memory_space<semaphore_mem>>) src(%arg11 : memref<96x96xf32, #tpu.memory_space<vmem>>) dst(%dma_wait3A_121 : memref<96x96xf32, #tpu.memory_space<hbm>>)
    %add3A_122 = arith.constant 192 : i32
    %add3A_123 = arith.addi %mul3A_2, %add3A_122 : i32
    %add3A_124 = arith.constant 192 : i32
    %add3A_125 = arith.addi %mul3A_2, %add3A_124 : i32
    %dma_start3A_126 = arith.constant 0 : i32
    %dma_start3A_127 = tpu.memref_slice %arg4[%add3A_123, %dma_start3A_126] : memref<43008x224xf32, #tpu.memory_space<hbm>> -> memref<96x128xf32, #tpu.memory_space<hbm>>
    %dma_start3A_128 = arith.constant 0 : i32
    %dma_start3A_129 = tpu.memref_slice %arg4[%add3A_123, %dma_start3A_128] : memref<43008x224xf32, #tpu.memory_space<hbm>> -> memref<96x128xf32, #tpu.memory_space<hbm>>
    tpu.enqueue_dma source(%arg10 : memref<96x128xf32, #tpu.memory_space<vmem>>) target(%dma_start3A_129 : memref<96x128xf32, #tpu.memory_space<hbm>>) target_semaphore(%arg16 : memref<!tpu.dma_semaphore, #tpu.memory_space<semaphore_mem>>)
    %dma_start3A_130 = arith.constant 128 : i32
    %dma_start3A_131 = tpu.memref_slice %arg4[%add3A_125, %dma_start3A_130] : memref<43008x224xf32, #tpu.memory_space<hbm>> -> memref<96x96xf32, #tpu.memory_space<hbm>>
    %dma_start3A_132 = arith.constant 128 : i32
    %dma_start3A_133 = tpu.memref_slice %arg4[%add3A_125, %dma_start3A_132] : memref<43008x224xf32, #tpu.memory_space<hbm>> -> memref<96x96xf32, #tpu.memory_space<hbm>>
    tpu.enqueue_dma source(%arg11 : memref<96x96xf32, #tpu.memory_space<vmem>>) target(%dma_start3A_133 : memref<96x96xf32, #tpu.memory_space<hbm>>) target_semaphore(%arg16 : memref<!tpu.dma_semaphore, #tpu.memory_space<semaphore_mem>>)
    %add3A_134 = arith.constant 384 : i32
    %add3A_135 = arith.addi %mul3A_2, %add3A_134 : i32
    %add3A_136 = arith.constant 384 : i32
    %add3A_137 = arith.addi %mul3A_2, %add3A_136 : i32
    %dma_start3A_138 = arith.constant 0 : i32
    %dma_start3A_139 = tpu.memref_slice %arg2[%add3A_135, %dma_start3A_138] : memref<43008x224xf32, #tpu.memory_space<hbm>> -> memref<96x128xf32, #tpu.memory_space<hbm>>
    %dma_start3A_140 = arith.constant 0 : i32
    %dma_start3A_141 = tpu.memref_slice %arg2[%add3A_135, %dma_start3A_140] : memref<43008x224xf32, #tpu.memory_space<hbm>> -> memref<96x128xf32, #tpu.memory_space<hbm>>
    tpu.enqueue_dma source(%dma_start3A_141 : memref<96x128xf32, #tpu.memory_space<hbm>>) target(%arg6 : memref<96x128xf32, #tpu.memory_space<vmem>>) target_semaphore(%arg14 : memref<!tpu.dma_semaphore, #tpu.memory_space<semaphore_mem>>)
    %dma_start3A_142 = arith.constant 128 : i32
    %dma_start3A_143 = tpu.memref_slice %arg2[%add3A_137, %dma_start3A_142] : memref<43008x224xf32, #tpu.memory_space<hbm>> -> memref<96x96xf32, #tpu.memory_space<hbm>>
    %dma_start3A_144 = arith.constant 128 : i32
    %dma_start3A_145 = tpu.memref_slice %arg2[%add3A_137, %dma_start3A_144] : memref<43008x224xf32, #tpu.memory_space<hbm>> -> memref<96x96xf32, #tpu.memory_space<hbm>>
    tpu.enqueue_dma source(%dma_start3A_145 : memref<96x96xf32, #tpu.memory_space<hbm>>) target(%arg7 : memref<96x96xf32, #tpu.memory_space<vmem>>) target_semaphore(%arg14 : memref<!tpu.dma_semaphore, #tpu.memory_space<semaphore_mem>>)
    %add3A_146 = arith.constant 288 : i32
    %add3A_147 = arith.addi %mul3A_2, %add3A_146 : i32
    %add3A_148 = arith.constant 288 : i32
    %add3A_149 = arith.addi %mul3A_2, %add3A_148 : i32
    %dma_wait3A_150 = arith.constant 0 : i32
    %dma_wait3A_151 = tpu.memref_slice %arg2[%add3A_147, %dma_wait3A_150] : memref<43008x224xf32, #tpu.memory_space<hbm>> -> memref<96x128xf32, #tpu.memory_space<hbm>>
    %dma_wait3A_152 = arith.constant 0 : i32
    %dma_wait3A_153 = tpu.memref_slice %arg2[%add3A_147, %dma_wait3A_152] : memref<43008x224xf32, #tpu.memory_space<hbm>> -> memref<96x128xf32, #tpu.memory_space<hbm>>
    tpu.wait_dma2 semaphore(%arg15 : memref<!tpu.dma_semaphore, #tpu.memory_space<semaphore_mem>>) src(%dma_wait3A_153 : memref<96x128xf32, #tpu.memory_space<hbm>>) dst(%arg8 : memref<96x128xf32, #tpu.memory_space<vmem>>)
    %dma_wait3A_154 = arith.constant 128 : i32
    %dma_wait3A_155 = tpu.memref_slice %arg2[%add3A_149, %dma_wait3A_154] : memref<43008x224xf32, #tpu.memory_space<hbm>> -> memref<96x96xf32, #tpu.memory_space<hbm>>
    %dma_wait3A_156 = arith.constant 128 : i32
    %dma_wait3A_157 = tpu.memref_slice %arg2[%add3A_149, %dma_wait3A_156] : memref<43008x224xf32, #tpu.memory_space<hbm>> -> memref<96x96xf32, #tpu.memory_space<hbm>>
    tpu.wait_dma2 semaphore(%arg15 : memref<!tpu.dma_semaphore, #tpu.memory_space<semaphore_mem>>) src(%dma_wait3A_157 : memref<96x96xf32, #tpu.memory_space<hbm>>) dst(%arg9 : memref<96x96xf32, #tpu.memory_space<vmem>>)
    %add3A_158 = arith.constant 96 : i32
    %add3A_159 = arith.addi %mul3A_2, %add3A_158 : i32
    %add3A_160 = arith.constant 96 : i32
    %add3A_161 = arith.addi %mul3A_2, %add3A_160 : i32
    %dma_wait3A_162 = arith.constant 0 : i32
    %dma_wait3A_163 = tpu.memref_slice %arg4[%add3A_159, %dma_wait3A_162] : memref<43008x224xf32, #tpu.memory_space<hbm>> -> memref<96x128xf32, #tpu.memory_space<hbm>>
    %dma_wait3A_164 = arith.constant 0 : i32
    %dma_wait3A_165 = tpu.memref_slice %arg4[%add3A_159, %dma_wait3A_164] : memref<43008x224xf32, #tpu.memory_space<hbm>> -> memref<96x128xf32, #tpu.memory_space<hbm>>
    tpu.wait_dma2 semaphore(%arg17 : memref<!tpu.dma_semaphore, #tpu.memory_space<semaphore_mem>>) src(%arg12 : memref<96x128xf32, #tpu.memory_space<vmem>>) dst(%dma_wait3A_165 : memref<96x128xf32, #tpu.memory_space<hbm>>)
    %dma_wait3A_166 = arith.constant 128 : i32
    %dma_wait3A_167 = tpu.memref_slice %arg4[%add3A_161, %dma_wait3A_166] : memref<43008x224xf32, #tpu.memory_space<hbm>> -> memref<96x96xf32, #tpu.memory_space<hbm>>
    %dma_wait3A_168 = arith.constant 128 : i32
    %dma_wait3A_169 = tpu.memref_slice %arg4[%add3A_161, %dma_wait3A_168] : memref<43008x224xf32, #tpu.memory_space<hbm>> -> memref<96x96xf32, #tpu.memory_space<hbm>>
    tpu.wait_dma2 semaphore(%arg17 : memref<!tpu.dma_semaphore, #tpu.memory_space<semaphore_mem>>) src(%arg13 : memref<96x96xf32, #tpu.memory_space<vmem>>) dst(%dma_wait3A_169 : memref<96x96xf32, #tpu.memory_space<hbm>>)
    %add3A_170 = arith.constant 288 : i32
    %add3A_171 = arith.addi %mul3A_2, %add3A_170 : i32
    %add3A_172 = arith.constant 288 : i32
    %add3A_173 = arith.addi %mul3A_2, %add3A_172 : i32
    %dma_start3A_174 = arith.constant 0 : i32
    %dma_start3A_175 = tpu.memref_slice %arg4[%add3A_171, %dma_start3A_174] : memref<43008x224xf32, #tpu.memory_space<hbm>> -> memref<96x128xf32, #tpu.memory_space<hbm>>
    %dma_start3A_176 = arith.constant 0 : i32
    %dma_start3A_177 = tpu.memref_slice %arg4[%add3A_171, %dma_start3A_176] : memref<43008x224xf32, #tpu.memory_space<hbm>> -> memref<96x128xf32, #tpu.memory_space<hbm>>
    tpu.enqueue_dma source(%arg12 : memref<96x128xf32, #tpu.memory_space<vmem>>) target(%dma_start3A_177 : memref<96x128xf32, #tpu.memory_space<hbm>>) target_semaphore(%arg17 : memref<!tpu.dma_semaphore, #tpu.memory_space<semaphore_mem>>)
    %dma_start3A_178 = arith.constant 128 : i32
    %dma_start3A_179 = tpu.memref_slice %arg4[%add3A_173, %dma_start3A_178] : memref<43008x224xf32, #tpu.memory_space<hbm>> -> memref<96x96xf32, #tpu.memory_space<hbm>>
    %dma_start3A_180 = arith.constant 128 : i32
    %dma_start3A_181 = tpu.memref_slice %arg4[%add3A_173, %dma_start3A_180] : memref<43008x224xf32, #tpu.memory_space<hbm>> -> memref<96x96xf32, #tpu.memory_space<hbm>>
    tpu.enqueue_dma source(%arg13 : memref<96x96xf32, #tpu.memory_space<vmem>>) target(%dma_start3A_181 : memref<96x96xf32, #tpu.memory_space<hbm>>) target_semaphore(%arg17 : memref<!tpu.dma_semaphore, #tpu.memory_space<semaphore_mem>>)
    %add3A_182 = arith.constant 480 : i32
    %add3A_183 = arith.addi %mul3A_2, %add3A_182 : i32
    %add3A_184 = arith.constant 480 : i32
    %add3A_185 = arith.addi %mul3A_2, %add3A_184 : i32
    %dma_start3A_186 = arith.constant 0 : i32
    %dma_start3A_187 = tpu.memref_slice %arg2[%add3A_183, %dma_start3A_186] : memref<43008x224xf32, #tpu.memory_space<hbm>> -> memref<96x128xf32, #tpu.memory_space<hbm>>
    %dma_start3A_188 = arith.constant 0 : i32
    %dma_start3A_189 = tpu.memref_slice %arg2[%add3A_183, %dma_start3A_188] : memref<43008x224xf32, #tpu.memory_space<hbm>> -> memref<96x128xf32, #tpu.memory_space<hbm>>
    tpu.enqueue_dma source(%dma_start3A_189 : memref<96x128xf32, #tpu.memory_space<hbm>>) target(%arg8 : memref<96x128xf32, #tpu.memory_space<vmem>>) target_semaphore(%arg15 : memref<!tpu.dma_semaphore, #tpu.memory_space<semaphore_mem>>)
    %dma_start3A_190 = arith.constant 128 : i32
    %dma_start3A_191 = tpu.memref_slice %arg2[%add3A_185, %dma_start3A_190] : memref<43008x224xf32, #tpu.memory_space<hbm>> -> memref<96x96xf32, #tpu.memory_space<hbm>>
    %dma_start3A_192 = arith.constant 128 : i32
    %dma_start3A_193 = tpu.memref_slice %arg2[%add3A_185, %dma_start3A_192] : memref<43008x224xf32, #tpu.memory_space<hbm>> -> memref<96x96xf32, #tpu.memory_space<hbm>>
    tpu.enqueue_dma source(%dma_start3A_193 : memref<96x96xf32, #tpu.memory_space<hbm>>) target(%arg9 : memref<96x96xf32, #tpu.memory_space<vmem>>) target_semaphore(%arg15 : memref<!tpu.dma_semaphore, #tpu.memory_space<semaphore_mem>>)
    %add3A_194 = arith.constant 384 : i32
    %add3A_195 = arith.addi %mul3A_2, %add3A_194 : i32
    %add3A_196 = arith.constant 384 : i32
    %add3A_197 = arith.addi %mul3A_2, %add3A_196 : i32
    %dma_wait3A_198 = arith.constant 0 : i32
    %dma_wait3A_199 = tpu.memref_slice %arg2[%add3A_195, %dma_wait3A_198] : memref<43008x224xf32, #tpu.memory_space<hbm>> -> memref<96x128xf32, #tpu.memory_space<hbm>>
    %dma_wait3A_200 = arith.constant 0 : i32
    %dma_wait3A_201 = tpu.memref_slice %arg2[%add3A_195, %dma_wait3A_200] : memref<43008x224xf32, #tpu.memory_space<hbm>> -> memref<96x128xf32, #tpu.memory_space<hbm>>
    tpu.wait_dma2 semaphore(%arg14 : memref<!tpu.dma_semaphore, #tpu.memory_space<semaphore_mem>>) src(%dma_wait3A_201 : memref<96x128xf32, #tpu.memory_space<hbm>>) dst(%arg6 : memref<96x128xf32, #tpu.memory_space<vmem>>)
    %dma_wait3A_202 = arith.constant 128 : i32
    %dma_wait3A_203 = tpu.memref_slice %arg2[%add3A_197, %dma_wait3A_202] : memref<43008x224xf32, #tpu.memory_space<hbm>> -> memref<96x96xf32, #tpu.memory_space<hbm>>
    %dma_wait3A_204 = arith.constant 128 : i32
    %dma_wait3A_205 = tpu.memref_slice %arg2[%add3A_197, %dma_wait3A_204] : memref<43008x224xf32, #tpu.memory_space<hbm>> -> memref<96x96xf32, #tpu.memory_space<hbm>>
    tpu.wait_dma2 semaphore(%arg14 : memref<!tpu.dma_semaphore, #tpu.memory_space<semaphore_mem>>) src(%dma_wait3A_205 : memref<96x96xf32, #tpu.memory_space<hbm>>) dst(%arg7 : memref<96x96xf32, #tpu.memory_space<vmem>>)
    %add3A_206 = arith.constant 192 : i32
    %add3A_207 = arith.addi %mul3A_2, %add3A_206 : i32
    %add3A_208 = arith.constant 192 : i32
    %add3A_209 = arith.addi %mul3A_2, %add3A_208 : i32
    %dma_wait3A_210 = arith.constant 0 : i32
    %dma_wait3A_211 = tpu.memref_slice %arg4[%add3A_207, %dma_wait3A_210] : memref<43008x224xf32, #tpu.memory_space<hbm>> -> memref<96x128xf32, #tpu.memory_space<hbm>>
    %dma_wait3A_212 = arith.constant 0 : i32
    %dma_wait3A_213 = tpu.memref_slice %arg4[%add3A_207, %dma_wait3A_212] : memref<43008x224xf32, #tpu.memory_space<hbm>> -> memref<96x128xf32, #tpu.memory_space<hbm>>
    tpu.wait_dma2 semaphore(%arg16 : memref<!tpu.dma_semaphore, #tpu.memory_space<semaphore_mem>>) src(%arg10 : memref<96x128xf32, #tpu.memory_space<vmem>>) dst(%dma_wait3A_213 : memref<96x128xf32, #tpu.memory_space<hbm>>)
    %dma_wait3A_214 = arith.constant 128 : i32
    %dma_wait3A_215 = tpu.memref_slice %arg4[%add3A_209, %dma_wait3A_214] : memref<43008x224xf32, #tpu.memory_space<hbm>> -> memref<96x96xf32, #tpu.memory_space<hbm>>
    %dma_wait3A_216 = arith.constant 128 : i32
    %dma_wait3A_217 = tpu.memref_slice %arg4[%add3A_209, %dma_wait3A_216] : memref<43008x224xf32, #tpu.memory_space<hbm>> -> memref<96x96xf32, #tpu.memory_space<hbm>>
    tpu.wait_dma2 semaphore(%arg16 : memref<!tpu.dma_semaphore, #tpu.memory_space<semaphore_mem>>) src(%arg11 : memref<96x96xf32, #tpu.memory_space<vmem>>) dst(%dma_wait3A_217 : memref<96x96xf32, #tpu.memory_space<hbm>>)
    %add3A_218 = arith.constant 384 : i32
    %add3A_219 = arith.addi %mul3A_2, %add3A_218 : i32
    %add3A_220 = arith.constant 384 : i32
    %add3A_221 = arith.addi %mul3A_2, %add3A_220 : i32
    %dma_start3A_222 = arith.constant 0 : i32
    %dma_start3A_223 = tpu.memref_slice %arg4[%add3A_219, %dma_start3A_222] : memref<43008x224xf32, #tpu.memory_space<hbm>> -> memref<96x128xf32, #tpu.memory_space<hbm>>
    %dma_start3A_224 = arith.constant 0 : i32
    %dma_start3A_225 = tpu.memref_slice %arg4[%add3A_219, %dma_start3A_224] : memref<43008x224xf32, #tpu.memory_space<hbm>> -> memref<96x128xf32, #tpu.memory_space<hbm>>
    tpu.enqueue_dma source(%arg10 : memref<96x128xf32, #tpu.memory_space<vmem>>) target(%dma_start3A_225 : memref<96x128xf32, #tpu.memory_space<hbm>>) target_semaphore(%arg16 : memref<!tpu.dma_semaphore, #tpu.memory_space<semaphore_mem>>)
    %dma_start3A_226 = arith.constant 128 : i32
    %dma_start3A_227 = tpu.memref_slice %arg4[%add3A_221, %dma_start3A_226] : memref<43008x224xf32, #tpu.memory_space<hbm>> -> memref<96x96xf32, #tpu.memory_space<hbm>>
    %dma_start3A_228 = arith.constant 128 : i32
    %dma_start3A_229 = tpu.memref_slice %arg4[%add3A_221, %dma_start3A_228] : memref<43008x224xf32, #tpu.memory_space<hbm>> -> memref<96x96xf32, #tpu.memory_space<hbm>>
    tpu.enqueue_dma source(%arg11 : memref<96x96xf32, #tpu.memory_space<vmem>>) target(%dma_start3A_229 : memref<96x96xf32, #tpu.memory_space<hbm>>) target_semaphore(%arg16 : memref<!tpu.dma_semaphore, #tpu.memory_space<semaphore_mem>>)
    %add3A_230 = arith.constant 576 : i32
    %add3A_231 = arith.addi %mul3A_2, %add3A_230 : i32
    %add3A_232 = arith.constant 576 : i32
    %add3A_233 = arith.addi %mul3A_2, %add3A_232 : i32
    %dma_start3A_234 = arith.constant 0 : i32
    %dma_start3A_235 = tpu.memref_slice %arg2[%add3A_231, %dma_start3A_234] : memref<43008x224xf32, #tpu.memory_space<hbm>> -> memref<96x128xf32, #tpu.memory_space<hbm>>
    %dma_start3A_236 = arith.constant 0 : i32
    %dma_start3A_237 = tpu.memref_slice %arg2[%add3A_231, %dma_start3A_236] : memref<43008x224xf32, #tpu.memory_space<hbm>> -> memref<96x128xf32, #tpu.memory_space<hbm>>
    tpu.enqueue_dma source(%dma_start3A_237 : memref<96x128xf32, #tpu.memory_space<hbm>>) target(%arg6 : memref<96x128xf32, #tpu.memory_space<vmem>>) target_semaphore(%arg14 : memref<!tpu.dma_semaphore, #tpu.memory_space<semaphore_mem>>)
    %dma_start3A_238 = arith.constant 128 : i32
    %dma_start3A_239 = tpu.memref_slice %arg2[%add3A_233, %dma_start3A_238] : memref<43008x224xf32, #tpu.memory_space<hbm>> -> memref<96x96xf32, #tpu.memory_space<hbm>>
    %dma_start3A_240 = arith.constant 128 : i32
    %dma_start3A_241 = tpu.memref_slice %arg2[%add3A_233, %dma_start3A_240] : memref<43008x224xf32, #tpu.memory_space<hbm>> -> memref<96x96xf32, #tpu.memory_space<hbm>>
    tpu.enqueue_dma source(%dma_start3A_241 : memref<96x96xf32, #tpu.memory_space<hbm>>) target(%arg7 : memref<96x96xf32, #tpu.memory_space<vmem>>) target_semaphore(%arg14 : memref<!tpu.dma_semaphore, #tpu.memory_space<semaphore_mem>>)
    %add3A_242 = arith.constant 480 : i32
    %add3A_243 = arith.addi %mul3A_2, %add3A_242 : i32
    %add3A_244 = arith.constant 480 : i32
    %add3A_245 = arith.addi %mul3A_2, %add3A_244 : i32
    %dma_wait3A_246 = arith.constant 0 : i32
    %dma_wait3A_247 = tpu.memref_slice %arg2[%add3A_243, %dma_wait3A_246] : memref<43008x224xf32, #tpu.memory_space<hbm>> -> memref<96x128xf32, #tpu.memory_space<hbm>>
    %dma_wait3A_248 = arith.constant 0 : i32
    %dma_wait3A_249 = tpu.memref_slice %arg2[%add3A_243, %dma_wait3A_248] : memref<43008x224xf32, #tpu.memory_space<hbm>> -> memref<96x128xf32, #tpu.memory_space<hbm>>
    tpu.wait_dma2 semaphore(%arg15 : memref<!tpu.dma_semaphore, #tpu.memory_space<semaphore_mem>>) src(%dma_wait3A_249 : memref<96x128xf32, #tpu.memory_space<hbm>>) dst(%arg8 : memref<96x128xf32, #tpu.memory_space<vmem>>)
    %dma_wait3A_250 = arith.constant 128 : i32
    %dma_wait3A_251 = tpu.memref_slice %arg2[%add3A_245, %dma_wait3A_250] : memref<43008x224xf32, #tpu.memory_space<hbm>> -> memref<96x96xf32, #tpu.memory_space<hbm>>
    %dma_wait3A_252 = arith.constant 128 : i32
    %dma_wait3A_253 = tpu.memref_slice %arg2[%add3A_245, %dma_wait3A_252] : memref<43008x224xf32, #tpu.memory_space<hbm>> -> memref<96x96xf32, #tpu.memory_space<hbm>>
    tpu.wait_dma2 semaphore(%arg15 : memref<!tpu.dma_semaphore, #tpu.memory_space<semaphore_mem>>) src(%dma_wait3A_253 : memref<96x96xf32, #tpu.memory_space<hbm>>) dst(%arg9 : memref<96x96xf32, #tpu.memory_space<vmem>>)
    %add3A_254 = arith.constant 288 : i32
    %add3A_255 = arith.addi %mul3A_2, %add3A_254 : i32
    %add3A_256 = arith.constant 288 : i32
    %add3A_257 = arith.addi %mul3A_2, %add3A_256 : i32
    %dma_wait3A_258 = arith.constant 0 : i32
    %dma_wait3A_259 = tpu.memref_slice %arg4[%add3A_255, %dma_wait3A_258] : memref<43008x224xf32, #tpu.memory_space<hbm>> -> memref<96x128xf32, #tpu.memory_space<hbm>>
    %dma_wait3A_260 = arith.constant 0 : i32
    %dma_wait3A_261 = tpu.memref_slice %arg4[%add3A_255, %dma_wait3A_260] : memref<43008x224xf32, #tpu.memory_space<hbm>> -> memref<96x128xf32, #tpu.memory_space<hbm>>
    tpu.wait_dma2 semaphore(%arg17 : memref<!tpu.dma_semaphore, #tpu.memory_space<semaphore_mem>>) src(%arg12 : memref<96x128xf32, #tpu.memory_space<vmem>>) dst(%dma_wait3A_261 : memref<96x128xf32, #tpu.memory_space<hbm>>)
    %dma_wait3A_262 = arith.constant 128 : i32
    %dma_wait3A_263 = tpu.memref_slice %arg4[%add3A_257, %dma_wait3A_262] : memref<43008x224xf32, #tpu.memory_space<hbm>> -> memref<96x96xf32, #tpu.memory_space<hbm>>
    %dma_wait3A_264 = arith.constant 128 : i32
    %dma_wait3A_265 = tpu.memref_slice %arg4[%add3A_257, %dma_wait3A_264] : memref<43008x224xf32, #tpu.memory_space<hbm>> -> memref<96x96xf32, #tpu.memory_space<hbm>>
    tpu.wait_dma2 semaphore(%arg17 : memref<!tpu.dma_semaphore, #tpu.memory_space<semaphore_mem>>) src(%arg13 : memref<96x96xf32, #tpu.memory_space<vmem>>) dst(%dma_wait3A_265 : memref<96x96xf32, #tpu.memory_space<hbm>>)
    %add3A_266 = arith.constant 480 : i32
    %add3A_267 = arith.addi %mul3A_2, %add3A_266 : i32
    %add3A_268 = arith.constant 480 : i32
    %add3A_269 = arith.addi %mul3A_2, %add3A_268 : i32
    %dma_start3A_270 = arith.constant 0 : i32
    %dma_start3A_271 = tpu.memref_slice %arg4[%add3A_267, %dma_start3A_270] : memref<43008x224xf32, #tpu.memory_space<hbm>> -> memref<96x128xf32, #tpu.memory_space<hbm>>
    %dma_start3A_272 = arith.constant 0 : i32
    %dma_start3A_273 = tpu.memref_slice %arg4[%add3A_267, %dma_start3A_272] : memref<43008x224xf32, #tpu.memory_space<hbm>> -> memref<96x128xf32, #tpu.memory_space<hbm>>
    tpu.enqueue_dma source(%arg12 : memref<96x128xf32, #tpu.memory_space<vmem>>) target(%dma_start3A_273 : memref<96x128xf32, #tpu.memory_space<hbm>>) target_semaphore(%arg17 : memref<!tpu.dma_semaphore, #tpu.memory_space<semaphore_mem>>)
    %dma_start3A_274 = arith.constant 128 : i32
    %dma_start3A_275 = tpu.memref_slice %arg4[%add3A_269, %dma_start3A_274] : memref<43008x224xf32, #tpu.memory_space<hbm>> -> memref<96x96xf32, #tpu.memory_space<hbm>>
    %dma_start3A_276 = arith.constant 128 : i32
    %dma_start3A_277 = tpu.memref_slice %arg4[%add3A_269, %dma_start3A_276] : memref<43008x224xf32, #tpu.memory_space<hbm>> -> memref<96x96xf32, #tpu.memory_space<hbm>>
    tpu.enqueue_dma source(%arg13 : memref<96x96xf32, #tpu.memory_space<vmem>>) target(%dma_start3A_277 : memref<96x96xf32, #tpu.memory_space<hbm>>) target_semaphore(%arg17 : memref<!tpu.dma_semaphore, #tpu.memory_space<semaphore_mem>>)
    %add3A_278 = arith.constant 672 : i32
    %add3A_279 = arith.addi %mul3A_2, %add3A_278 : i32
    %add3A_280 = arith.constant 672 : i32
    %add3A_281 = arith.addi %mul3A_2, %add3A_280 : i32
    %dma_start3A_282 = arith.constant 0 : i32
    %dma_start3A_283 = tpu.memref_slice %arg2[%add3A_279, %dma_start3A_282] : memref<43008x224xf32, #tpu.memory_space<hbm>> -> memref<96x128xf32, #tpu.memory_space<hbm>>
    %dma_start3A_284 = arith.constant 0 : i32
    %dma_start3A_285 = tpu.memref_slice %arg2[%add3A_279, %dma_start3A_284] : memref<43008x224xf32, #tpu.memory_space<hbm>> -> memref<96x128xf32, #tpu.memory_space<hbm>>
    tpu.enqueue_dma source(%dma_start3A_285 : memref<96x128xf32, #tpu.memory_space<hbm>>) target(%arg8 : memref<96x128xf32, #tpu.memory_space<vmem>>) target_semaphore(%arg15 : memref<!tpu.dma_semaphore, #tpu.memory_space<semaphore_mem>>)
    %dma_start3A_286 = arith.constant 128 : i32
    %dma_start3A_287 = tpu.memref_slice %arg2[%add3A_281, %dma_start3A_286] : memref<43008x224xf32, #tpu.memory_space<hbm>> -> memref<96x96xf32, #tpu.memory_space<hbm>>
    %dma_start3A_288 = arith.constant 128 : i32
    %dma_start3A_289 = tpu.memref_slice %arg2[%add3A_281, %dma_start3A_288] : memref<43008x224xf32, #tpu.memory_space<hbm>> -> memref<96x96xf32, #tpu.memory_space<hbm>>
    tpu.enqueue_dma source(%dma_start3A_289 : memref<96x96xf32, #tpu.memory_space<hbm>>) target(%arg9 : memref<96x96xf32, #tpu.memory_space<vmem>>) target_semaphore(%arg15 : memref<!tpu.dma_semaphore, #tpu.memory_space<semaphore_mem>>)
    %add3A_290 = arith.constant 576 : i32
    %add3A_291 = arith.addi %mul3A_2, %add3A_290 : i32
    %add3A_292 = arith.constant 576 : i32
    %add3A_293 = arith.addi %mul3A_2, %add3A_292 : i32
    %dma_wait3A_294 = arith.constant 0 : i32
    %dma_wait3A_295 = tpu.memref_slice %arg2[%add3A_291, %dma_wait3A_294] : memref<43008x224xf32, #tpu.memory_space<hbm>> -> memref<96x128xf32, #tpu.memory_space<hbm>>
    %dma_wait3A_296 = arith.constant 0 : i32
    %dma_wait3A_297 = tpu.memref_slice %arg2[%add3A_291, %dma_wait3A_296] : memref<43008x224xf32, #tpu.memory_space<hbm>> -> memref<96x128xf32, #tpu.memory_space<hbm>>
    tpu.wait_dma2 semaphore(%arg14 : memref<!tpu.dma_semaphore, #tpu.memory_space<semaphore_mem>>) src(%dma_wait3A_297 : memref<96x128xf32, #tpu.memory_space<hbm>>) dst(%arg6 : memref<96x128xf32, #tpu.memory_space<vmem>>)
    %dma_wait3A_298 = arith.constant 128 : i32
    %dma_wait3A_299 = tpu.memref_slice %arg2[%add3A_293, %dma_wait3A_298] : memref<43008x224xf32, #tpu.memory_space<hbm>> -> memref<96x96xf32, #tpu.memory_space<hbm>>
    %dma_wait3A_300 = arith.constant 128 : i32
    %dma_wait3A_301 = tpu.memref_slice %arg2[%add3A_293, %dma_wait3A_300] : memref<43008x224xf32, #tpu.memory_space<hbm>> -> memref<96x96xf32, #tpu.memory_space<hbm>>
    tpu.wait_dma2 semaphore(%arg14 : memref<!tpu.dma_semaphore, #tpu.memory_space<semaphore_mem>>) src(%dma_wait3A_301 : memref<96x96xf32, #tpu.memory_space<hbm>>) dst(%arg7 : memref<96x96xf32, #tpu.memory_space<vmem>>)
    %add3A_302 = arith.constant 384 : i32
    %add3A_303 = arith.addi %mul3A_2, %add3A_302 : i32
    %add3A_304 = arith.constant 384 : i32
    %add3A_305 = arith.addi %mul3A_2, %add3A_304 : i32
    %dma_wait3A_306 = arith.constant 0 : i32
    %dma_wait3A_307 = tpu.memref_slice %arg4[%add3A_303, %dma_wait3A_306] : memref<43008x224xf32, #tpu.memory_space<hbm>> -> memref<96x128xf32, #tpu.memory_space<hbm>>
    %dma_wait3A_308 = arith.constant 0 : i32
    %dma_wait3A_309 = tpu.memref_slice %arg4[%add3A_303, %dma_wait3A_308] : memref<43008x224xf32, #tpu.memory_space<hbm>> -> memref<96x128xf32, #tpu.memory_space<hbm>>
    tpu.wait_dma2 semaphore(%arg16 : memref<!tpu.dma_semaphore, #tpu.memory_space<semaphore_mem>>) src(%arg10 : memref<96x128xf32, #tpu.memory_space<vmem>>) dst(%dma_wait3A_309 : memref<96x128xf32, #tpu.memory_space<hbm>>)
    %dma_wait3A_310 = arith.constant 128 : i32
    %dma_wait3A_311 = tpu.memref_slice %arg4[%add3A_305, %dma_wait3A_310] : memref<43008x224xf32, #tpu.memory_space<hbm>> -> memref<96x96xf32, #tpu.memory_space<hbm>>
    %dma_wait3A_312 = arith.constant 128 : i32
    %dma_wait3A_313 = tpu.memref_slice %arg4[%add3A_305, %dma_wait3A_312] : memref<43008x224xf32, #tpu.memory_space<hbm>> -> memref<96x96xf32, #tpu.memory_space<hbm>>
    tpu.wait_dma2 semaphore(%arg16 : memref<!tpu.dma_semaphore, #tpu.memory_space<semaphore_mem>>) src(%arg11 : memref<96x96xf32, #tpu.memory_space<vmem>>) dst(%dma_wait3A_313 : memref<96x96xf32, #tpu.memory_space<hbm>>)
    %add3A_314 = arith.constant 576 : i32
    %add3A_315 = arith.addi %mul3A_2, %add3A_314 : i32
    %add3A_316 = arith.constant 576 : i32
    %add3A_317 = arith.addi %mul3A_2, %add3A_316 : i32
    %dma_start3A_318 = arith.constant 0 : i32
    %dma_start3A_319 = tpu.memref_slice %arg4[%add3A_315, %dma_start3A_318] : memref<43008x224xf32, #tpu.memory_space<hbm>> -> memref<96x128xf32, #tpu.memory_space<hbm>>
    %dma_start3A_320 = arith.constant 0 : i32
    %dma_start3A_321 = tpu.memref_slice %arg4[%add3A_315, %dma_start3A_320] : memref<43008x224xf32, #tpu.memory_space<hbm>> -> memref<96x128xf32, #tpu.memory_space<hbm>>
    tpu.enqueue_dma source(%arg10 : memref<96x128xf32, #tpu.memory_space<vmem>>) target(%dma_start3A_321 : memref<96x128xf32, #tpu.memory_space<hbm>>) target_semaphore(%arg16 : memref<!tpu.dma_semaphore, #tpu.memory_space<semaphore_mem>>)
    %dma_start3A_322 = arith.constant 128 : i32
    %dma_start3A_323 = tpu.memref_slice %arg4[%add3A_317, %dma_start3A_322] : memref<43008x224xf32, #tpu.memory_space<hbm>> -> memref<96x96xf32, #tpu.memory_space<hbm>>
    %dma_start3A_324 = arith.constant 128 : i32
    %dma_start3A_325 = tpu.memref_slice %arg4[%add3A_317, %dma_start3A_324] : memref<43008x224xf32, #tpu.memory_space<hbm>> -> memref<96x96xf32, #tpu.memory_space<hbm>>
    tpu.enqueue_dma source(%arg11 : memref<96x96xf32, #tpu.memory_space<vmem>>) target(%dma_start3A_325 : memref<96x96xf32, #tpu.memory_space<hbm>>) target_semaphore(%arg16 : memref<!tpu.dma_semaphore, #tpu.memory_space<semaphore_mem>>)
    %add3A_326 = arith.constant 768 : i32
    %add3A_327 = arith.addi %mul3A_2, %add3A_326 : i32
    %add3A_328 = arith.constant 768 : i32
    %add3A_329 = arith.addi %mul3A_2, %add3A_328 : i32
    %dma_start3A_330 = arith.constant 0 : i32
    %dma_start3A_331 = tpu.memref_slice %arg2[%add3A_327, %dma_start3A_330] : memref<43008x224xf32, #tpu.memory_space<hbm>> -> memref<96x128xf32, #tpu.memory_space<hbm>>
    %dma_start3A_332 = arith.constant 0 : i32
    %dma_start3A_333 = tpu.memref_slice %arg2[%add3A_327, %dma_start3A_332] : memref<43008x224xf32, #tpu.memory_space<hbm>> -> memref<96x128xf32, #tpu.memory_space<hbm>>
    tpu.enqueue_dma source(%dma_start3A_333 : memref<96x128xf32, #tpu.memory_space<hbm>>) target(%arg6 : memref<96x128xf32, #tpu.memory_space<vmem>>) target_semaphore(%arg14 : memref<!tpu.dma_semaphore, #tpu.memory_space<semaphore_mem>>)
    %dma_start3A_334 = arith.constant 128 : i32
    %dma_start3A_335 = tpu.memref_slice %arg2[%add3A_329, %dma_start3A_334] : memref<43008x224xf32, #tpu.memory_space<hbm>> -> memref<96x96xf32, #tpu.memory_space<hbm>>
    %dma_start3A_336 = arith.constant 128 : i32
    %dma_start3A_337 = tpu.memref_slice %arg2[%add3A_329, %dma_start3A_336] : memref<43008x224xf32, #tpu.memory_space<hbm>> -> memref<96x96xf32, #tpu.memory_space<hbm>>
    tpu.enqueue_dma source(%dma_start3A_337 : memref<96x96xf32, #tpu.memory_space<hbm>>) target(%arg7 : memref<96x96xf32, #tpu.memory_space<vmem>>) target_semaphore(%arg14 : memref<!tpu.dma_semaphore, #tpu.memory_space<semaphore_mem>>)
    %add3A_338 = arith.constant 672 : i32
    %add3A_339 = arith.addi %mul3A_2, %add3A_338 : i32
    %add3A_340 = arith.constant 672 : i32
    %add3A_341 = arith.addi %mul3A_2, %add3A_340 : i32
    %dma_wait3A_342 = arith.constant 0 : i32
    %dma_wait3A_343 = tpu.memref_slice %arg2[%add3A_339, %dma_wait3A_342] : memref<43008x224xf32, #tpu.memory_space<hbm>> -> memref<96x128xf32, #tpu.memory_space<hbm>>
    %dma_wait3A_344 = arith.constant 0 : i32
    %dma_wait3A_345 = tpu.memref_slice %arg2[%add3A_339, %dma_wait3A_344] : memref<43008x224xf32, #tpu.memory_space<hbm>> -> memref<96x128xf32, #tpu.memory_space<hbm>>
    tpu.wait_dma2 semaphore(%arg15 : memref<!tpu.dma_semaphore, #tpu.memory_space<semaphore_mem>>) src(%dma_wait3A_345 : memref<96x128xf32, #tpu.memory_space<hbm>>) dst(%arg8 : memref<96x128xf32, #tpu.memory_space<vmem>>)
    %dma_wait3A_346 = arith.constant 128 : i32
    %dma_wait3A_347 = tpu.memref_slice %arg2[%add3A_341, %dma_wait3A_346] : memref<43008x224xf32, #tpu.memory_space<hbm>> -> memref<96x96xf32, #tpu.memory_space<hbm>>
    %dma_wait3A_348 = arith.constant 128 : i32
    %dma_wait3A_349 = tpu.memref_slice %arg2[%add3A_341, %dma_wait3A_348] : memref<43008x224xf32, #tpu.memory_space<hbm>> -> memref<96x96xf32, #tpu.memory_space<hbm>>
    tpu.wait_dma2 semaphore(%arg15 : memref<!tpu.dma_semaphore, #tpu.memory_space<semaphore_mem>>) src(%dma_wait3A_349 : memref<96x96xf32, #tpu.memory_space<hbm>>) dst(%arg9 : memref<96x96xf32, #tpu.memory_space<vmem>>)
    %add3A_350 = arith.constant 480 : i32
    %add3A_351 = arith.addi %mul3A_2, %add3A_350 : i32
    %add3A_352 = arith.constant 480 : i32
    %add3A_353 = arith.addi %mul3A_2, %add3A_352 : i32
    %dma_wait3A_354 = arith.constant 0 : i32
    %dma_wait3A_355 = tpu.memref_slice %arg4[%add3A_351, %dma_wait3A_354] : memref<43008x224xf32, #tpu.memory_space<hbm>> -> memref<96x128xf32, #tpu.memory_space<hbm>>
    %dma_wait3A_356 = arith.constant 0 : i32
    %dma_wait3A_357 = tpu.memref_slice %arg4[%add3A_351, %dma_wait3A_356] : memref<43008x224xf32, #tpu.memory_space<hbm>> -> memref<96x128xf32, #tpu.memory_space<hbm>>
    tpu.wait_dma2 semaphore(%arg17 : memref<!tpu.dma_semaphore, #tpu.memory_space<semaphore_mem>>) src(%arg12 : memref<96x128xf32, #tpu.memory_space<vmem>>) dst(%dma_wait3A_357 : memref<96x128xf32, #tpu.memory_space<hbm>>)
    %dma_wait3A_358 = arith.constant 128 : i32
    %dma_wait3A_359 = tpu.memref_slice %arg4[%add3A_353, %dma_wait3A_358] : memref<43008x224xf32, #tpu.memory_space<hbm>> -> memref<96x96xf32, #tpu.memory_space<hbm>>
    %dma_wait3A_360 = arith.constant 128 : i32
    %dma_wait3A_361 = tpu.memref_slice %arg4[%add3A_353, %dma_wait3A_360] : memref<43008x224xf32, #tpu.memory_space<hbm>> -> memref<96x96xf32, #tpu.memory_space<hbm>>
    tpu.wait_dma2 semaphore(%arg17 : memref<!tpu.dma_semaphore, #tpu.memory_space<semaphore_mem>>) src(%arg13 : memref<96x96xf32, #tpu.memory_space<vmem>>) dst(%dma_wait3A_361 : memref<96x96xf32, #tpu.memory_space<hbm>>)
    %add3A_362 = arith.constant 672 : i32
    %add3A_363 = arith.addi %mul3A_2, %add3A_362 : i32
    %add3A_364 = arith.constant 672 : i32
    %add3A_365 = arith.addi %mul3A_2, %add3A_364 : i32
    %dma_start3A_366 = arith.constant 0 : i32
    %dma_start3A_367 = tpu.memref_slice %arg4[%add3A_363, %dma_start3A_366] : memref<43008x224xf32, #tpu.memory_space<hbm>> -> memref<96x128xf32, #tpu.memory_space<hbm>>
    %dma_start3A_368 = arith.constant 0 : i32
    %dma_start3A_369 = tpu.memref_slice %arg4[%add3A_363, %dma_start3A_368] : memref<43008x224xf32, #tpu.memory_space<hbm>> -> memref<96x128xf32, #tpu.memory_space<hbm>>
    tpu.enqueue_dma source(%arg12 : memref<96x128xf32, #tpu.memory_space<vmem>>) target(%dma_start3A_369 : memref<96x128xf32, #tpu.memory_space<hbm>>) target_semaphore(%arg17 : memref<!tpu.dma_semaphore, #tpu.memory_space<semaphore_mem>>)
    %dma_start3A_370 = arith.constant 128 : i32
    %dma_start3A_371 = tpu.memref_slice %arg4[%add3A_365, %dma_start3A_370] : memref<43008x224xf32, #tpu.memory_space<hbm>> -> memref<96x96xf32, #tpu.memory_space<hbm>>
    %dma_start3A_372 = arith.constant 128 : i32
    %dma_start3A_373 = tpu.memref_slice %arg4[%add3A_365, %dma_start3A_372] : memref<43008x224xf32, #tpu.memory_space<hbm>> -> memref<96x96xf32, #tpu.memory_space<hbm>>
    tpu.enqueue_dma source(%arg13 : memref<96x96xf32, #tpu.memory_space<vmem>>) target(%dma_start3A_373 : memref<96x96xf32, #tpu.memory_space<hbm>>) target_semaphore(%arg17 : memref<!tpu.dma_semaphore, #tpu.memory_space<semaphore_mem>>)
    %add3A_374 = arith.constant 864 : i32
    %add3A_375 = arith.addi %mul3A_2, %add3A_374 : i32
    %add3A_376 = arith.constant 864 : i32
    %add3A_377 = arith.addi %mul3A_2, %add3A_376 : i32
    %dma_start3A_378 = arith.constant 0 : i32
    %dma_start3A_379 = tpu.memref_slice %arg2[%add3A_375, %dma_start3A_378] : memref<43008x224xf32, #tpu.memory_space<hbm>> -> memref<96x128xf32, #tpu.memory_space<hbm>>
    %dma_start3A_380 = arith.constant 0 : i32
    %dma_start3A_381 = tpu.memref_slice %arg2[%add3A_375, %dma_start3A_380] : memref<43008x224xf32, #tpu.memory_space<hbm>> -> memref<96x128xf32, #tpu.memory_space<hbm>>
    tpu.enqueue_dma source(%dma_start3A_381 : memref<96x128xf32, #tpu.memory_space<hbm>>) target(%arg8 : memref<96x128xf32, #tpu.memory_space<vmem>>) target_semaphore(%arg15 : memref<!tpu.dma_semaphore, #tpu.memory_space<semaphore_mem>>)
    %dma_start3A_382 = arith.constant 128 : i32
    %dma_start3A_383 = tpu.memref_slice %arg2[%add3A_377, %dma_start3A_382] : memref<43008x224xf32, #tpu.memory_space<hbm>> -> memref<96x96xf32, #tpu.memory_space<hbm>>
    %dma_start3A_384 = arith.constant 128 : i32
    %dma_start3A_385 = tpu.memref_slice %arg2[%add3A_377, %dma_start3A_384] : memref<43008x224xf32, #tpu.memory_space<hbm>> -> memref<96x96xf32, #tpu.memory_space<hbm>>
    tpu.enqueue_dma source(%dma_start3A_385 : memref<96x96xf32, #tpu.memory_space<hbm>>) target(%arg9 : memref<96x96xf32, #tpu.memory_space<vmem>>) target_semaphore(%arg15 : memref<!tpu.dma_semaphore, #tpu.memory_space<semaphore_mem>>)
    %add3A_386 = arith.constant 768 : i32
    %add3A_387 = arith.addi %mul3A_2, %add3A_386 : i32
    %add3A_388 = arith.constant 768 : i32
    %add3A_389 = arith.addi %mul3A_2, %add3A_388 : i32
    %dma_wait3A_390 = arith.constant 0 : i32
    %dma_wait3A_391 = tpu.memref_slice %arg2[%add3A_387, %dma_wait3A_390] : memref<43008x224xf32, #tpu.memory_space<hbm>> -> memref<96x128xf32, #tpu.memory_space<hbm>>
    %dma_wait3A_392 = arith.constant 0 : i32
    %dma_wait3A_393 = tpu.memref_slice %arg2[%add3A_387, %dma_wait3A_392] : memref<43008x224xf32, #tpu.memory_space<hbm>> -> memref<96x128xf32, #tpu.memory_space<hbm>>
    tpu.wait_dma2 semaphore(%arg14 : memref<!tpu.dma_semaphore, #tpu.memory_space<semaphore_mem>>) src(%dma_wait3A_393 : memref<96x128xf32, #tpu.memory_space<hbm>>) dst(%arg6 : memref<96x128xf32, #tpu.memory_space<vmem>>)
    %dma_wait3A_394 = arith.constant 128 : i32
    %dma_wait3A_395 = tpu.memref_slice %arg2[%add3A_389, %dma_wait3A_394] : memref<43008x224xf32, #tpu.memory_space<hbm>> -> memref<96x96xf32, #tpu.memory_space<hbm>>
    %dma_wait3A_396 = arith.constant 128 : i32
    %dma_wait3A_397 = tpu.memref_slice %arg2[%add3A_389, %dma_wait3A_396] : memref<43008x224xf32, #tpu.memory_space<hbm>> -> memref<96x96xf32, #tpu.memory_space<hbm>>
    tpu.wait_dma2 semaphore(%arg14 : memref<!tpu.dma_semaphore, #tpu.memory_space<semaphore_mem>>) src(%dma_wait3A_397 : memref<96x96xf32, #tpu.memory_space<hbm>>) dst(%arg7 : memref<96x96xf32, #tpu.memory_space<vmem>>)
    %add3A_398 = arith.constant 576 : i32
    %add3A_399 = arith.addi %mul3A_2, %add3A_398 : i32
    %add3A_400 = arith.constant 576 : i32
    %add3A_401 = arith.addi %mul3A_2, %add3A_400 : i32
    %dma_wait3A_402 = arith.constant 0 : i32
    %dma_wait3A_403 = tpu.memref_slice %arg4[%add3A_399, %dma_wait3A_402] : memref<43008x224xf32, #tpu.memory_space<hbm>> -> memref<96x128xf32, #tpu.memory_space<hbm>>
    %dma_wait3A_404 = arith.constant 0 : i32
    %dma_wait3A_405 = tpu.memref_slice %arg4[%add3A_399, %dma_wait3A_404] : memref<43008x224xf32, #tpu.memory_space<hbm>> -> memref<96x128xf32, #tpu.memory_space<hbm>>
    tpu.wait_dma2 semaphore(%arg16 : memref<!tpu.dma_semaphore, #tpu.memory_space<semaphore_mem>>) src(%arg10 : memref<96x128xf32, #tpu.memory_space<vmem>>) dst(%dma_wait3A_405 : memref<96x128xf32, #tpu.memory_space<hbm>>)
    %dma_wait3A_406 = arith.constant 128 : i32
    %dma_wait3A_407 = tpu.memref_slice %arg4[%add3A_401, %dma_wait3A_406] : memref<43008x224xf32, #tpu.memory_space<hbm>> -> memref<96x96xf32, #tpu.memory_space<hbm>>
    %dma_wait3A_408 = arith.constant 128 : i32
    %dma_wait3A_409 = tpu.memref_slice %arg4[%add3A_401, %dma_wait3A_408] : memref<43008x224xf32, #tpu.memory_space<hbm>> -> memref<96x96xf32, #tpu.memory_space<hbm>>
    tpu.wait_dma2 semaphore(%arg16 : memref<!tpu.dma_semaphore, #tpu.memory_space<semaphore_mem>>) src(%arg11 : memref<96x96xf32, #tpu.memory_space<vmem>>) dst(%dma_wait3A_409 : memref<96x96xf32, #tpu.memory_space<hbm>>)
    %add3A_410 = arith.constant 768 : i32
    %add3A_411 = arith.addi %mul3A_2, %add3A_410 : i32
    %add3A_412 = arith.constant 768 : i32
    %add3A_413 = arith.addi %mul3A_2, %add3A_412 : i32
    %dma_start3A_414 = arith.constant 0 : i32
    %dma_start3A_415 = tpu.memref_slice %arg4[%add3A_411, %dma_start3A_414] : memref<43008x224xf32, #tpu.memory_space<hbm>> -> memref<96x128xf32, #tpu.memory_space<hbm>>
    %dma_start3A_416 = arith.constant 0 : i32
    %dma_start3A_417 = tpu.memref_slice %arg4[%add3A_411, %dma_start3A_416] : memref<43008x224xf32, #tpu.memory_space<hbm>> -> memref<96x128xf32, #tpu.memory_space<hbm>>
    tpu.enqueue_dma source(%arg10 : memref<96x128xf32, #tpu.memory_space<vmem>>) target(%dma_start3A_417 : memref<96x128xf32, #tpu.memory_space<hbm>>) target_semaphore(%arg16 : memref<!tpu.dma_semaphore, #tpu.memory_space<semaphore_mem>>)
    %dma_start3A_418 = arith.constant 128 : i32
    %dma_start3A_419 = tpu.memref_slice %arg4[%add3A_413, %dma_start3A_418] : memref<43008x224xf32, #tpu.memory_space<hbm>> -> memref<96x96xf32, #tpu.memory_space<hbm>>
    %dma_start3A_420 = arith.constant 128 : i32
    %dma_start3A_421 = tpu.memref_slice %arg4[%add3A_413, %dma_start3A_420] : memref<43008x224xf32, #tpu.memory_space<hbm>> -> memref<96x96xf32, #tpu.memory_space<hbm>>
    tpu.enqueue_dma source(%arg11 : memref<96x96xf32, #tpu.memory_space<vmem>>) target(%dma_start3A_421 : memref<96x96xf32, #tpu.memory_space<hbm>>) target_semaphore(%arg16 : memref<!tpu.dma_semaphore, #tpu.memory_space<semaphore_mem>>)
    %add3A_422 = arith.constant 960 : i32
    %add3A_423 = arith.addi %mul3A_2, %add3A_422 : i32
    %add3A_424 = arith.constant 960 : i32
    %add3A_425 = arith.addi %mul3A_2, %add3A_424 : i32
    %dma_start3A_426 = arith.constant 0 : i32
    %dma_start3A_427 = tpu.memref_slice %arg2[%add3A_423, %dma_start3A_426] : memref<43008x224xf32, #tpu.memory_space<hbm>> -> memref<96x128xf32, #tpu.memory_space<hbm>>
    %dma_start3A_428 = arith.constant 0 : i32
    %dma_start3A_429 = tpu.memref_slice %arg2[%add3A_423, %dma_start3A_428] : memref<43008x224xf32, #tpu.memory_space<hbm>> -> memref<96x128xf32, #tpu.memory_space<hbm>>
    tpu.enqueue_dma source(%dma_start3A_429 : memref<96x128xf32, #tpu.memory_space<hbm>>) target(%arg6 : memref<96x128xf32, #tpu.memory_space<vmem>>) target_semaphore(%arg14 : memref<!tpu.dma_semaphore, #tpu.memory_space<semaphore_mem>>)
    %dma_start3A_430 = arith.constant 128 : i32
    %dma_start3A_431 = tpu.memref_slice %arg2[%add3A_425, %dma_start3A_430] : memref<43008x224xf32, #tpu.memory_space<hbm>> -> memref<96x96xf32, #tpu.memory_space<hbm>>
    %dma_start3A_432 = arith.constant 128 : i32
    %dma_start3A_433 = tpu.memref_slice %arg2[%add3A_425, %dma_start3A_432] : memref<43008x224xf32, #tpu.memory_space<hbm>> -> memref<96x96xf32, #tpu.memory_space<hbm>>
    tpu.enqueue_dma source(%dma_start3A_433 : memref<96x96xf32, #tpu.memory_space<hbm>>) target(%arg7 : memref<96x96xf32, #tpu.memory_space<vmem>>) target_semaphore(%arg14 : memref<!tpu.dma_semaphore, #tpu.memory_space<semaphore_mem>>)
    %add3A_434 = arith.constant 864 : i32
    %add3A_435 = arith.addi %mul3A_2, %add3A_434 : i32
    %add3A_436 = arith.constant 864 : i32
    %add3A_437 = arith.addi %mul3A_2, %add3A_436 : i32
    %dma_wait3A_438 = arith.constant 0 : i32
    %dma_wait3A_439 = tpu.memref_slice %arg2[%add3A_435, %dma_wait3A_438] : memref<43008x224xf32, #tpu.memory_space<hbm>> -> memref<96x128xf32, #tpu.memory_space<hbm>>
    %dma_wait3A_440 = arith.constant 0 : i32
    %dma_wait3A_441 = tpu.memref_slice %arg2[%add3A_435, %dma_wait3A_440] : memref<43008x224xf32, #tpu.memory_space<hbm>> -> memref<96x128xf32, #tpu.memory_space<hbm>>
    tpu.wait_dma2 semaphore(%arg15 : memref<!tpu.dma_semaphore, #tpu.memory_space<semaphore_mem>>) src(%dma_wait3A_441 : memref<96x128xf32, #tpu.memory_space<hbm>>) dst(%arg8 : memref<96x128xf32, #tpu.memory_space<vmem>>)
    %dma_wait3A_442 = arith.constant 128 : i32
    %dma_wait3A_443 = tpu.memref_slice %arg2[%add3A_437, %dma_wait3A_442] : memref<43008x224xf32, #tpu.memory_space<hbm>> -> memref<96x96xf32, #tpu.memory_space<hbm>>
    %dma_wait3A_444 = arith.constant 128 : i32
    %dma_wait3A_445 = tpu.memref_slice %arg2[%add3A_437, %dma_wait3A_444] : memref<43008x224xf32, #tpu.memory_space<hbm>> -> memref<96x96xf32, #tpu.memory_space<hbm>>
    tpu.wait_dma2 semaphore(%arg15 : memref<!tpu.dma_semaphore, #tpu.memory_space<semaphore_mem>>) src(%dma_wait3A_445 : memref<96x96xf32, #tpu.memory_space<hbm>>) dst(%arg9 : memref<96x96xf32, #tpu.memory_space<vmem>>)
    %add3A_446 = arith.constant 672 : i32
    %add3A_447 = arith.addi %mul3A_2, %add3A_446 : i32
    %add3A_448 = arith.constant 672 : i32
    %add3A_449 = arith.addi %mul3A_2, %add3A_448 : i32
    %dma_wait3A_450 = arith.constant 0 : i32
    %dma_wait3A_451 = tpu.memref_slice %arg4[%add3A_447, %dma_wait3A_450] : memref<43008x224xf32, #tpu.memory_space<hbm>> -> memref<96x128xf32, #tpu.memory_space<hbm>>
    %dma_wait3A_452 = arith.constant 0 : i32
    %dma_wait3A_453 = tpu.memref_slice %arg4[%add3A_447, %dma_wait3A_452] : memref<43008x224xf32, #tpu.memory_space<hbm>> -> memref<96x128xf32, #tpu.memory_space<hbm>>
    tpu.wait_dma2 semaphore(%arg17 : memref<!tpu.dma_semaphore, #tpu.memory_space<semaphore_mem>>) src(%arg12 : memref<96x128xf32, #tpu.memory_space<vmem>>) dst(%dma_wait3A_453 : memref<96x128xf32, #tpu.memory_space<hbm>>)
    %dma_wait3A_454 = arith.constant 128 : i32
    %dma_wait3A_455 = tpu.memref_slice %arg4[%add3A_449, %dma_wait3A_454] : memref<43008x224xf32, #tpu.memory_space<hbm>> -> memref<96x96xf32, #tpu.memory_space<hbm>>
    %dma_wait3A_456 = arith.constant 128 : i32
    %dma_wait3A_457 = tpu.memref_slice %arg4[%add3A_449, %dma_wait3A_456] : memref<43008x224xf32, #tpu.memory_space<hbm>> -> memref<96x96xf32, #tpu.memory_space<hbm>>
    tpu.wait_dma2 semaphore(%arg17 : memref<!tpu.dma_semaphore, #tpu.memory_space<semaphore_mem>>) src(%arg13 : memref<96x96xf32, #tpu.memory_space<vmem>>) dst(%dma_wait3A_457 : memref<96x96xf32, #tpu.memory_space<hbm>>)
    %add3A_458 = arith.constant 864 : i32
    %add3A_459 = arith.addi %mul3A_2, %add3A_458 : i32
    %add3A_460 = arith.constant 864 : i32
    %add3A_461 = arith.addi %mul3A_2, %add3A_460 : i32
    %dma_start3A_462 = arith.constant 0 : i32
    %dma_start3A_463 = tpu.memref_slice %arg4[%add3A_459, %dma_start3A_462] : memref<43008x224xf32, #tpu.memory_space<hbm>> -> memref<96x128xf32, #tpu.memory_space<hbm>>
    %dma_start3A_464 = arith.constant 0 : i32
    %dma_start3A_465 = tpu.memref_slice %arg4[%add3A_459, %dma_start3A_464] : memref<43008x224xf32, #tpu.memory_space<hbm>> -> memref<96x128xf32, #tpu.memory_space<hbm>>
    tpu.enqueue_dma source(%arg12 : memref<96x128xf32, #tpu.memory_space<vmem>>) target(%dma_start3A_465 : memref<96x128xf32, #tpu.memory_space<hbm>>) target_semaphore(%arg17 : memref<!tpu.dma_semaphore, #tpu.memory_space<semaphore_mem>>)
    %dma_start3A_466 = arith.constant 128 : i32
    %dma_start3A_467 = tpu.memref_slice %arg4[%add3A_461, %dma_start3A_466] : memref<43008x224xf32, #tpu.memory_space<hbm>> -> memref<96x96xf32, #tpu.memory_space<hbm>>
    %dma_start3A_468 = arith.constant 128 : i32
    %dma_start3A_469 = tpu.memref_slice %arg4[%add3A_461, %dma_start3A_468] : memref<43008x224xf32, #tpu.memory_space<hbm>> -> memref<96x96xf32, #tpu.memory_space<hbm>>
    tpu.enqueue_dma source(%arg13 : memref<96x96xf32, #tpu.memory_space<vmem>>) target(%dma_start3A_469 : memref<96x96xf32, #tpu.memory_space<hbm>>) target_semaphore(%arg17 : memref<!tpu.dma_semaphore, #tpu.memory_space<semaphore_mem>>)
    %add3A_470 = arith.constant 1056 : i32
    %add3A_471 = arith.addi %mul3A_2, %add3A_470 : i32
    %add3A_472 = arith.constant 1056 : i32
    %add3A_473 = arith.addi %mul3A_2, %add3A_472 : i32
    %dma_start3A_474 = arith.constant 0 : i32
    %dma_start3A_475 = tpu.memref_slice %arg2[%add3A_471, %dma_start3A_474] : memref<43008x224xf32, #tpu.memory_space<hbm>> -> memref<96x128xf32, #tpu.memory_space<hbm>>
    %dma_start3A_476 = arith.constant 0 : i32
    %dma_start3A_477 = tpu.memref_slice %arg2[%add3A_471, %dma_start3A_476] : memref<43008x224xf32, #tpu.memory_space<hbm>> -> memref<96x128xf32, #tpu.memory_space<hbm>>
    tpu.enqueue_dma source(%dma_start3A_477 : memref<96x128xf32, #tpu.memory_space<hbm>>) target(%arg8 : memref<96x128xf32, #tpu.memory_space<vmem>>) target_semaphore(%arg15 : memref<!tpu.dma_semaphore, #tpu.memory_space<semaphore_mem>>)
    %dma_start3A_478 = arith.constant 128 : i32
    %dma_start3A_479 = tpu.memref_slice %arg2[%add3A_473, %dma_start3A_478] : memref<43008x224xf32, #tpu.memory_space<hbm>> -> memref<96x96xf32, #tpu.memory_space<hbm>>
    %dma_start3A_480 = arith.constant 128 : i32
    %dma_start3A_481 = tpu.memref_slice %arg2[%add3A_473, %dma_start3A_480] : memref<43008x224xf32, #tpu.memory_space<hbm>> -> memref<96x96xf32, #tpu.memory_space<hbm>>
    tpu.enqueue_dma source(%dma_start3A_481 : memref<96x96xf32, #tpu.memory_space<hbm>>) target(%arg9 : memref<96x96xf32, #tpu.memory_space<vmem>>) target_semaphore(%arg15 : memref<!tpu.dma_semaphore, #tpu.memory_space<semaphore_mem>>)
    %add3A_482 = arith.constant 960 : i32
    %add3A_483 = arith.addi %mul3A_2, %add3A_482 : i32
    %add3A_484 = arith.constant 960 : i32
    %add3A_485 = arith.addi %mul3A_2, %add3A_484 : i32
    %dma_wait3A_486 = arith.constant 0 : i32
    %dma_wait3A_487 = tpu.memref_slice %arg2[%add3A_483, %dma_wait3A_486] : memref<43008x224xf32, #tpu.memory_space<hbm>> -> memref<96x128xf32, #tpu.memory_space<hbm>>
    %dma_wait3A_488 = arith.constant 0 : i32
    %dma_wait3A_489 = tpu.memref_slice %arg2[%add3A_483, %dma_wait3A_488] : memref<43008x224xf32, #tpu.memory_space<hbm>> -> memref<96x128xf32, #tpu.memory_space<hbm>>
    tpu.wait_dma2 semaphore(%arg14 : memref<!tpu.dma_semaphore, #tpu.memory_space<semaphore_mem>>) src(%dma_wait3A_489 : memref<96x128xf32, #tpu.memory_space<hbm>>) dst(%arg6 : memref<96x128xf32, #tpu.memory_space<vmem>>)
    %dma_wait3A_490 = arith.constant 128 : i32
    %dma_wait3A_491 = tpu.memref_slice %arg2[%add3A_485, %dma_wait3A_490] : memref<43008x224xf32, #tpu.memory_space<hbm>> -> memref<96x96xf32, #tpu.memory_space<hbm>>
    %dma_wait3A_492 = arith.constant 128 : i32
    %dma_wait3A_493 = tpu.memref_slice %arg2[%add3A_485, %dma_wait3A_492] : memref<43008x224xf32, #tpu.memory_space<hbm>> -> memref<96x96xf32, #tpu.memory_space<hbm>>
    tpu.wait_dma2 semaphore(%arg14 : memref<!tpu.dma_semaphore, #tpu.memory_space<semaphore_mem>>) src(%dma_wait3A_493 : memref<96x96xf32, #tpu.memory_space<hbm>>) dst(%arg7 : memref<96x96xf32, #tpu.memory_space<vmem>>)
    %add3A_494 = arith.constant 768 : i32
    %add3A_495 = arith.addi %mul3A_2, %add3A_494 : i32
    %add3A_496 = arith.constant 768 : i32
    %add3A_497 = arith.addi %mul3A_2, %add3A_496 : i32
    %dma_wait3A_498 = arith.constant 0 : i32
    %dma_wait3A_499 = tpu.memref_slice %arg4[%add3A_495, %dma_wait3A_498] : memref<43008x224xf32, #tpu.memory_space<hbm>> -> memref<96x128xf32, #tpu.memory_space<hbm>>
    %dma_wait3A_500 = arith.constant 0 : i32
    %dma_wait3A_501 = tpu.memref_slice %arg4[%add3A_495, %dma_wait3A_500] : memref<43008x224xf32, #tpu.memory_space<hbm>> -> memref<96x128xf32, #tpu.memory_space<hbm>>
    tpu.wait_dma2 semaphore(%arg16 : memref<!tpu.dma_semaphore, #tpu.memory_space<semaphore_mem>>) src(%arg10 : memref<96x128xf32, #tpu.memory_space<vmem>>) dst(%dma_wait3A_501 : memref<96x128xf32, #tpu.memory_space<hbm>>)
    %dma_wait3A_502 = arith.constant 128 : i32
    %dma_wait3A_503 = tpu.memref_slice %arg4[%add3A_497, %dma_wait3A_502] : memref<43008x224xf32, #tpu.memory_space<hbm>> -> memref<96x96xf32, #tpu.memory_space<hbm>>
    %dma_wait3A_504 = arith.constant 128 : i32
    %dma_wait3A_505 = tpu.memref_slice %arg4[%add3A_497, %dma_wait3A_504] : memref<43008x224xf32, #tpu.memory_space<hbm>> -> memref<96x96xf32, #tpu.memory_space<hbm>>
    tpu.wait_dma2 semaphore(%arg16 : memref<!tpu.dma_semaphore, #tpu.memory_space<semaphore_mem>>) src(%arg11 : memref<96x96xf32, #tpu.memory_space<vmem>>) dst(%dma_wait3A_505 : memref<96x96xf32, #tpu.memory_space<hbm>>)
    %add3A_506 = arith.constant 960 : i32
    %add3A_507 = arith.addi %mul3A_2, %add3A_506 : i32
    %add3A_508 = arith.constant 960 : i32
    %add3A_509 = arith.addi %mul3A_2, %add3A_508 : i32
    %dma_start3A_510 = arith.constant 0 : i32
    %dma_start3A_511 = tpu.memref_slice %arg4[%add3A_507, %dma_start3A_510] : memref<43008x224xf32, #tpu.memory_space<hbm>> -> memref<96x128xf32, #tpu.memory_space<hbm>>
    %dma_start3A_512 = arith.constant 0 : i32
    %dma_start3A_513 = tpu.memref_slice %arg4[%add3A_507, %dma_start3A_512] : memref<43008x224xf32, #tpu.memory_space<hbm>> -> memref<96x128xf32, #tpu.memory_space<hbm>>
    tpu.enqueue_dma source(%arg10 : memref<96x128xf32, #tpu.memory_space<vmem>>) target(%dma_start3A_513 : memref<96x128xf32, #tpu.memory_space<hbm>>) target_semaphore(%arg16 : memref<!tpu.dma_semaphore, #tpu.memory_space<semaphore_mem>>)
    %dma_start3A_514 = arith.constant 128 : i32
    %dma_start3A_515 = tpu.memref_slice %arg4[%add3A_509, %dma_start3A_514] : memref<43008x224xf32, #tpu.memory_space<hbm>> -> memref<96x96xf32, #tpu.memory_space<hbm>>
    %dma_start3A_516 = arith.constant 128 : i32
    %dma_start3A_517 = tpu.memref_slice %arg4[%add3A_509, %dma_start3A_516] : memref<43008x224xf32, #tpu.memory_space<hbm>> -> memref<96x96xf32, #tpu.memory_space<hbm>>
    tpu.enqueue_dma source(%arg11 : memref<96x96xf32, #tpu.memory_space<vmem>>) target(%dma_start3A_517 : memref<96x96xf32, #tpu.memory_space<hbm>>) target_semaphore(%arg16 : memref<!tpu.dma_semaphore, #tpu.memory_space<semaphore_mem>>)
    %add3A_518 = arith.constant 1152 : i32
    %add3A_519 = arith.addi %mul3A_2, %add3A_518 : i32
    %add3A_520 = arith.constant 1152 : i32
    %add3A_521 = arith.addi %mul3A_2, %add3A_520 : i32
    %dma_start3A_522 = arith.constant 0 : i32
    %dma_start3A_523 = tpu.memref_slice %arg2[%add3A_519, %dma_start3A_522] : memref<43008x224xf32, #tpu.memory_space<hbm>> -> memref<96x128xf32, #tpu.memory_space<hbm>>
    %dma_start3A_524 = arith.constant 0 : i32
    %dma_start3A_525 = tpu.memref_slice %arg2[%add3A_519, %dma_start3A_524] : memref<43008x224xf32, #tpu.memory_space<hbm>> -> memref<96x128xf32, #tpu.memory_space<hbm>>
    tpu.enqueue_dma source(%dma_start3A_525 : memref<96x128xf32, #tpu.memory_space<hbm>>) target(%arg6 : memref<96x128xf32, #tpu.memory_space<vmem>>) target_semaphore(%arg14 : memref<!tpu.dma_semaphore, #tpu.memory_space<semaphore_mem>>)
    %dma_start3A_526 = arith.constant 128 : i32
    %dma_start3A_527 = tpu.memref_slice %arg2[%add3A_521, %dma_start3A_526] : memref<43008x224xf32, #tpu.memory_space<hbm>> -> memref<96x96xf32, #tpu.memory_space<hbm>>
    %dma_start3A_528 = arith.constant 128 : i32
    %dma_start3A_529 = tpu.memref_slice %arg2[%add3A_521, %dma_start3A_528] : memref<43008x224xf32, #tpu.memory_space<hbm>> -> memref<96x96xf32, #tpu.memory_space<hbm>>
    tpu.enqueue_dma source(%dma_start3A_529 : memref<96x96xf32, #tpu.memory_space<hbm>>) target(%arg7 : memref<96x96xf32, #tpu.memory_space<vmem>>) target_semaphore(%arg14 : memref<!tpu.dma_semaphore, #tpu.memory_space<semaphore_mem>>)
    %add3A_530 = arith.constant 1056 : i32
    %add3A_531 = arith.addi %mul3A_2, %add3A_530 : i32
    %add3A_532 = arith.constant 1056 : i32
    %add3A_533 = arith.addi %mul3A_2, %add3A_532 : i32
    %dma_wait3A_534 = arith.constant 0 : i32
    %dma_wait3A_535 = tpu.memref_slice %arg2[%add3A_531, %dma_wait3A_534] : memref<43008x224xf32, #tpu.memory_space<hbm>> -> memref<96x128xf32, #tpu.memory_space<hbm>>
    %dma_wait3A_536 = arith.constant 0 : i32
    %dma_wait3A_537 = tpu.memref_slice %arg2[%add3A_531, %dma_wait3A_536] : memref<43008x224xf32, #tpu.memory_space<hbm>> -> memref<96x128xf32, #tpu.memory_space<hbm>>
    tpu.wait_dma2 semaphore(%arg15 : memref<!tpu.dma_semaphore, #tpu.memory_space<semaphore_mem>>) src(%dma_wait3A_537 : memref<96x128xf32, #tpu.memory_space<hbm>>) dst(%arg8 : memref<96x128xf32, #tpu.memory_space<vmem>>)
    %dma_wait3A_538 = arith.constant 128 : i32
    %dma_wait3A_539 = tpu.memref_slice %arg2[%add3A_533, %dma_wait3A_538] : memref<43008x224xf32, #tpu.memory_space<hbm>> -> memref<96x96xf32, #tpu.memory_space<hbm>>
    %dma_wait3A_540 = arith.constant 128 : i32
    %dma_wait3A_541 = tpu.memref_slice %arg2[%add3A_533, %dma_wait3A_540] : memref<43008x224xf32, #tpu.memory_space<hbm>> -> memref<96x96xf32, #tpu.memory_space<hbm>>
    tpu.wait_dma2 semaphore(%arg15 : memref<!tpu.dma_semaphore, #tpu.memory_space<semaphore_mem>>) src(%dma_wait3A_541 : memref<96x96xf32, #tpu.memory_space<hbm>>) dst(%arg9 : memref<96x96xf32, #tpu.memory_space<vmem>>)
    %add3A_542 = arith.constant 864 : i32
    %add3A_543 = arith.addi %mul3A_2, %add3A_542 : i32
    %add3A_544 = arith.constant 864 : i32
    %add3A_545 = arith.addi %mul3A_2, %add3A_544 : i32
    %dma_wait3A_546 = arith.constant 0 : i32
    %dma_wait3A_547 = tpu.memref_slice %arg4[%add3A_543, %dma_wait3A_546] : memref<43008x224xf32, #tpu.memory_space<hbm>> -> memref<96x128xf32, #tpu.memory_space<hbm>>
    %dma_wait3A_548 = arith.constant 0 : i32
    %dma_wait3A_549 = tpu.memref_slice %arg4[%add3A_543, %dma_wait3A_548] : memref<43008x224xf32, #tpu.memory_space<hbm>> -> memref<96x128xf32, #tpu.memory_space<hbm>>
    tpu.wait_dma2 semaphore(%arg17 : memref<!tpu.dma_semaphore, #tpu.memory_space<semaphore_mem>>) src(%arg12 : memref<96x128xf32, #tpu.memory_space<vmem>>) dst(%dma_wait3A_549 : memref<96x128xf32, #tpu.memory_space<hbm>>)
    %dma_wait3A_550 = arith.constant 128 : i32
    %dma_wait3A_551 = tpu.memref_slice %arg4[%add3A_545, %dma_wait3A_550] : memref<43008x224xf32, #tpu.memory_space<hbm>> -> memref<96x96xf32, #tpu.memory_space<hbm>>
    %dma_wait3A_552 = arith.constant 128 : i32
    %dma_wait3A_553 = tpu.memref_slice %arg4[%add3A_545, %dma_wait3A_552] : memref<43008x224xf32, #tpu.memory_space<hbm>> -> memref<96x96xf32, #tpu.memory_space<hbm>>
    tpu.wait_dma2 semaphore(%arg17 : memref<!tpu.dma_semaphore, #tpu.memory_space<semaphore_mem>>) src(%arg13 : memref<96x96xf32, #tpu.memory_space<vmem>>) dst(%dma_wait3A_553 : memref<96x96xf32, #tpu.memory_space<hbm>>)
    %add3A_554 = arith.constant 1056 : i32
    %add3A_555 = arith.addi %mul3A_2, %add3A_554 : i32
    %add3A_556 = arith.constant 1056 : i32
    %add3A_557 = arith.addi %mul3A_2, %add3A_556 : i32
    %dma_start3A_558 = arith.constant 0 : i32
    %dma_start3A_559 = tpu.memref_slice %arg4[%add3A_555, %dma_start3A_558] : memref<43008x224xf32, #tpu.memory_space<hbm>> -> memref<96x128xf32, #tpu.memory_space<hbm>>
    %dma_start3A_560 = arith.constant 0 : i32
    %dma_start3A_561 = tpu.memref_slice %arg4[%add3A_555, %dma_start3A_560] : memref<43008x224xf32, #tpu.memory_space<hbm>> -> memref<96x128xf32, #tpu.memory_space<hbm>>
    tpu.enqueue_dma source(%arg12 : memref<96x128xf32, #tpu.memory_space<vmem>>) target(%dma_start3A_561 : memref<96x128xf32, #tpu.memory_space<hbm>>) target_semaphore(%arg17 : memref<!tpu.dma_semaphore, #tpu.memory_space<semaphore_mem>>)
    %dma_start3A_562 = arith.constant 128 : i32
    %dma_start3A_563 = tpu.memref_slice %arg4[%add3A_557, %dma_start3A_562] : memref<43008x224xf32, #tpu.memory_space<hbm>> -> memref<96x96xf32, #tpu.memory_space<hbm>>
    %dma_start3A_564 = arith.constant 128 : i32
    %dma_start3A_565 = tpu.memref_slice %arg4[%add3A_557, %dma_start3A_564] : memref<43008x224xf32, #tpu.memory_space<hbm>> -> memref<96x96xf32, #tpu.memory_space<hbm>>
    tpu.enqueue_dma source(%arg13 : memref<96x96xf32, #tpu.memory_space<vmem>>) target(%dma_start3A_565 : memref<96x96xf32, #tpu.memory_space<hbm>>) target_semaphore(%arg17 : memref<!tpu.dma_semaphore, #tpu.memory_space<semaphore_mem>>)
    %add3A_566 = arith.constant 1248 : i32
    %add3A_567 = arith.addi %mul3A_2, %add3A_566 : i32
    %add3A_568 = arith.constant 1248 : i32
    %add3A_569 = arith.addi %mul3A_2, %add3A_568 : i32
    %dma_start3A_570 = arith.constant 0 : i32
    %dma_start3A_571 = tpu.memref_slice %arg2[%add3A_567, %dma_start3A_570] : memref<43008x224xf32, #tpu.memory_space<hbm>> -> memref<96x128xf32, #tpu.memory_space<hbm>>
    %dma_start3A_572 = arith.constant 0 : i32
    %dma_start3A_573 = tpu.memref_slice %arg2[%add3A_567, %dma_start3A_572] : memref<43008x224xf32, #tpu.memory_space<hbm>> -> memref<96x128xf32, #tpu.memory_space<hbm>>
    tpu.enqueue_dma source(%dma_start3A_573 : memref<96x128xf32, #tpu.memory_space<hbm>>) target(%arg8 : memref<96x128xf32, #tpu.memory_space<vmem>>) target_semaphore(%arg15 : memref<!tpu.dma_semaphore, #tpu.memory_space<semaphore_mem>>)
    %dma_start3A_574 = arith.constant 128 : i32
    %dma_start3A_575 = tpu.memref_slice %arg2[%add3A_569, %dma_start3A_574] : memref<43008x224xf32, #tpu.memory_space<hbm>> -> memref<96x96xf32, #tpu.memory_space<hbm>>
    %dma_start3A_576 = arith.constant 128 : i32
    %dma_start3A_577 = tpu.memref_slice %arg2[%add3A_569, %dma_start3A_576] : memref<43008x224xf32, #tpu.memory_space<hbm>> -> memref<96x96xf32, #tpu.memory_space<hbm>>
    tpu.enqueue_dma source(%dma_start3A_577 : memref<96x96xf32, #tpu.memory_space<hbm>>) target(%arg9 : memref<96x96xf32, #tpu.memory_space<vmem>>) target_semaphore(%arg15 : memref<!tpu.dma_semaphore, #tpu.memory_space<semaphore_mem>>)
    %add3A_578 = arith.constant 1152 : i32
    %add3A_579 = arith.addi %mul3A_2, %add3A_578 : i32
    %add3A_580 = arith.constant 1152 : i32
    %add3A_581 = arith.addi %mul3A_2, %add3A_580 : i32
    %dma_wait3A_582 = arith.constant 0 : i32
    %dma_wait3A_583 = tpu.memref_slice %arg2[%add3A_579, %dma_wait3A_582] : memref<43008x224xf32, #tpu.memory_space<hbm>> -> memref<96x128xf32, #tpu.memory_space<hbm>>
    %dma_wait3A_584 = arith.constant 0 : i32
    %dma_wait3A_585 = tpu.memref_slice %arg2[%add3A_579, %dma_wait3A_584] : memref<43008x224xf32, #tpu.memory_space<hbm>> -> memref<96x128xf32, #tpu.memory_space<hbm>>
    tpu.wait_dma2 semaphore(%arg14 : memref<!tpu.dma_semaphore, #tpu.memory_space<semaphore_mem>>) src(%dma_wait3A_585 : memref<96x128xf32, #tpu.memory_space<hbm>>) dst(%arg6 : memref<96x128xf32, #tpu.memory_space<vmem>>)
    %dma_wait3A_586 = arith.constant 128 : i32
    %dma_wait3A_587 = tpu.memref_slice %arg2[%add3A_581, %dma_wait3A_586] : memref<43008x224xf32, #tpu.memory_space<hbm>> -> memref<96x96xf32, #tpu.memory_space<hbm>>
    %dma_wait3A_588 = arith.constant 128 : i32
    %dma_wait3A_589 = tpu.memref_slice %arg2[%add3A_581, %dma_wait3A_588] : memref<43008x224xf32, #tpu.memory_space<hbm>> -> memref<96x96xf32, #tpu.memory_space<hbm>>
    tpu.wait_dma2 semaphore(%arg14 : memref<!tpu.dma_semaphore, #tpu.memory_space<semaphore_mem>>) src(%dma_wait3A_589 : memref<96x96xf32, #tpu.memory_space<hbm>>) dst(%arg7 : memref<96x96xf32, #tpu.memory_space<vmem>>)
    %add3A_590 = arith.constant 960 : i32
    %add3A_591 = arith.addi %mul3A_2, %add3A_590 : i32
    %add3A_592 = arith.constant 960 : i32
    %add3A_593 = arith.addi %mul3A_2, %add3A_592 : i32
    %dma_wait3A_594 = arith.constant 0 : i32
    %dma_wait3A_595 = tpu.memref_slice %arg4[%add3A_591, %dma_wait3A_594] : memref<43008x224xf32, #tpu.memory_space<hbm>> -> memref<96x128xf32, #tpu.memory_space<hbm>>
    %dma_wait3A_596 = arith.constant 0 : i32
    %dma_wait3A_597 = tpu.memref_slice %arg4[%add3A_591, %dma_wait3A_596] : memref<43008x224xf32, #tpu.memory_space<hbm>> -> memref<96x128xf32, #tpu.memory_space<hbm>>
    tpu.wait_dma2 semaphore(%arg16 : memref<!tpu.dma_semaphore, #tpu.memory_space<semaphore_mem>>) src(%arg10 : memref<96x128xf32, #tpu.memory_space<vmem>>) dst(%dma_wait3A_597 : memref<96x128xf32, #tpu.memory_space<hbm>>)
    %dma_wait3A_598 = arith.constant 128 : i32
    %dma_wait3A_599 = tpu.memref_slice %arg4[%add3A_593, %dma_wait3A_598] : memref<43008x224xf32, #tpu.memory_space<hbm>> -> memref<96x96xf32, #tpu.memory_space<hbm>>
    %dma_wait3A_600 = arith.constant 128 : i32
    %dma_wait3A_601 = tpu.memref_slice %arg4[%add3A_593, %dma_wait3A_600] : memref<43008x224xf32, #tpu.memory_space<hbm>> -> memref<96x96xf32, #tpu.memory_space<hbm>>
    tpu.wait_dma2 semaphore(%arg16 : memref<!tpu.dma_semaphore, #tpu.memory_space<semaphore_mem>>) src(%arg11 : memref<96x96xf32, #tpu.memory_space<vmem>>) dst(%dma_wait3A_601 : memref<96x96xf32, #tpu.memory_space<hbm>>)
    %add3A_602 = arith.constant 1152 : i32
    %add3A_603 = arith.addi %mul3A_2, %add3A_602 : i32
    %add3A_604 = arith.constant 1152 : i32
    %add3A_605 = arith.addi %mul3A_2, %add3A_604 : i32
    %dma_start3A_606 = arith.constant 0 : i32
    %dma_start3A_607 = tpu.memref_slice %arg4[%add3A_603, %dma_start3A_606] : memref<43008x224xf32, #tpu.memory_space<hbm>> -> memref<96x128xf32, #tpu.memory_space<hbm>>
    %dma_start3A_608 = arith.constant 0 : i32
    %dma_start3A_609 = tpu.memref_slice %arg4[%add3A_603, %dma_start3A_608] : memref<43008x224xf32, #tpu.memory_space<hbm>> -> memref<96x128xf32, #tpu.memory_space<hbm>>
    tpu.enqueue_dma source(%arg10 : memref<96x128xf32, #tpu.memory_space<vmem>>) target(%dma_start3A_609 : memref<96x128xf32, #tpu.memory_space<hbm>>) target_semaphore(%arg16 : memref<!tpu.dma_semaphore, #tpu.memory_space<semaphore_mem>>)
    %dma_start3A_610 = arith.constant 128 : i32
    %dma_start3A_611 = tpu.memref_slice %arg4[%add3A_605, %dma_start3A_610] : memref<43008x224xf32, #tpu.memory_space<hbm>> -> memref<96x96xf32, #tpu.memory_space<hbm>>
    %dma_start3A_612 = arith.constant 128 : i32
    %dma_start3A_613 = tpu.memref_slice %arg4[%add3A_605, %dma_start3A_612] : memref<43008x224xf32, #tpu.memory_space<hbm>> -> memref<96x96xf32, #tpu.memory_space<hbm>>
    tpu.enqueue_dma source(%arg11 : memref<96x96xf32, #tpu.memory_space<vmem>>) target(%dma_start3A_613 : memref<96x96xf32, #tpu.memory_space<hbm>>) target_semaphore(%arg16 : memref<!tpu.dma_semaphore, #tpu.memory_space<semaphore_mem>>)
    %add3A_614 = arith.constant 1248 : i32
    %add3A_615 = arith.addi %mul3A_2, %add3A_614 : i32
    %add3A_616 = arith.constant 1248 : i32
    %add3A_617 = arith.addi %mul3A_2, %add3A_616 : i32
    %dma_wait3A_618 = arith.constant 0 : i32
    %dma_wait3A_619 = tpu.memref_slice %arg2[%add3A_615, %dma_wait3A_618] : memref<43008x224xf32, #tpu.memory_space<hbm>> -> memref<96x128xf32, #tpu.memory_space<hbm>>
    %dma_wait3A_620 = arith.constant 0 : i32
    %dma_wait3A_621 = tpu.memref_slice %arg2[%add3A_615, %dma_wait3A_620] : memref<43008x224xf32, #tpu.memory_space<hbm>> -> memref<96x128xf32, #tpu.memory_space<hbm>>
    tpu.wait_dma2 semaphore(%arg15 : memref<!tpu.dma_semaphore, #tpu.memory_space<semaphore_mem>>) src(%dma_wait3A_621 : memref<96x128xf32, #tpu.memory_space<hbm>>) dst(%arg8 : memref<96x128xf32, #tpu.memory_space<vmem>>)
    %dma_wait3A_622 = arith.constant 128 : i32
    %dma_wait3A_623 = tpu.memref_slice %arg2[%add3A_617, %dma_wait3A_622] : memref<43008x224xf32, #tpu.memory_space<hbm>> -> memref<96x96xf32, #tpu.memory_space<hbm>>
    %dma_wait3A_624 = arith.constant 128 : i32
    %dma_wait3A_625 = tpu.memref_slice %arg2[%add3A_617, %dma_wait3A_624] : memref<43008x224xf32, #tpu.memory_space<hbm>> -> memref<96x96xf32, #tpu.memory_space<hbm>>
    tpu.wait_dma2 semaphore(%arg15 : memref<!tpu.dma_semaphore, #tpu.memory_space<semaphore_mem>>) src(%dma_wait3A_625 : memref<96x96xf32, #tpu.memory_space<hbm>>) dst(%arg9 : memref<96x96xf32, #tpu.memory_space<vmem>>)
    %add3A_626 = arith.constant 1056 : i32
    %add3A_627 = arith.addi %mul3A_2, %add3A_626 : i32
    %add3A_628 = arith.constant 1056 : i32
    %add3A_629 = arith.addi %mul3A_2, %add3A_628 : i32
    %dma_wait3A_630 = arith.constant 0 : i32
    %dma_wait3A_631 = tpu.memref_slice %arg4[%add3A_627, %dma_wait3A_630] : memref<43008x224xf32, #tpu.memory_space<hbm>> -> memref<96x128xf32, #tpu.memory_space<hbm>>
    %dma_wait3A_632 = arith.constant 0 : i32
    %dma_wait3A_633 = tpu.memref_slice %arg4[%add3A_627, %dma_wait3A_632] : memref<43008x224xf32, #tpu.memory_space<hbm>> -> memref<96x128xf32, #tpu.memory_space<hbm>>
    tpu.wait_dma2 semaphore(%arg17 : memref<!tpu.dma_semaphore, #tpu.memory_space<semaphore_mem>>) src(%arg12 : memref<96x128xf32, #tpu.memory_space<vmem>>) dst(%dma_wait3A_633 : memref<96x128xf32, #tpu.memory_space<hbm>>)
    %dma_wait3A_634 = arith.constant 128 : i32
    %dma_wait3A_635 = tpu.memref_slice %arg4[%add3A_629, %dma_wait3A_634] : memref<43008x224xf32, #tpu.memory_space<hbm>> -> memref<96x96xf32, #tpu.memory_space<hbm>>
    %dma_wait3A_636 = arith.constant 128 : i32
    %dma_wait3A_637 = tpu.memref_slice %arg4[%add3A_629, %dma_wait3A_636] : memref<43008x224xf32, #tpu.memory_space<hbm>> -> memref<96x96xf32, #tpu.memory_space<hbm>>
    tpu.wait_dma2 semaphore(%arg17 : memref<!tpu.dma_semaphore, #tpu.memory_space<semaphore_mem>>) src(%arg13 : memref<96x96xf32, #tpu.memory_space<vmem>>) dst(%dma_wait3A_637 : memref<96x96xf32, #tpu.memory_space<hbm>>)
    %add3A_638 = arith.constant 1248 : i32
    %add3A_639 = arith.addi %mul3A_2, %add3A_638 : i32
    %add3A_640 = arith.constant 1248 : i32
    %add3A_641 = arith.addi %mul3A_2, %add3A_640 : i32
    %dma_start3A_642 = arith.constant 0 : i32
    %dma_start3A_643 = tpu.memref_slice %arg4[%add3A_639, %dma_start3A_642] : memref<43008x224xf32, #tpu.memory_space<hbm>> -> memref<96x128xf32, #tpu.memory_space<hbm>>
    %dma_start3A_644 = arith.constant 0 : i32
    %dma_start3A_645 = tpu.memref_slice %arg4[%add3A_639, %dma_start3A_644] : memref<43008x224xf32, #tpu.memory_space<hbm>> -> memref<96x128xf32, #tpu.memory_space<hbm>>
    tpu.enqueue_dma source(%arg12 : memref<96x128xf32, #tpu.memory_space<vmem>>) target(%dma_start3A_645 : memref<96x128xf32, #tpu.memory_space<hbm>>) target_semaphore(%arg17 : memref<!tpu.dma_semaphore, #tpu.memory_space<semaphore_mem>>)
    %dma_start3A_646 = arith.constant 128 : i32
    %dma_start3A_647 = tpu.memref_slice %arg4[%add3A_641, %dma_start3A_646] : memref<43008x224xf32, #tpu.memory_space<hbm>> -> memref<96x96xf32, #tpu.memory_space<hbm>>
    %dma_start3A_648 = arith.constant 128 : i32
    %dma_start3A_649 = tpu.memref_slice %arg4[%add3A_641, %dma_start3A_648] : memref<43008x224xf32, #tpu.memory_space<hbm>> -> memref<96x96xf32, #tpu.memory_space<hbm>>
    tpu.enqueue_dma source(%arg13 : memref<96x96xf32, #tpu.memory_space<vmem>>) target(%dma_start3A_649 : memref<96x96xf32, #tpu.memory_space<hbm>>) target_semaphore(%arg17 : memref<!tpu.dma_semaphore, #tpu.memory_space<semaphore_mem>>)
    %add3A_650 = arith.constant 1152 : i32
    %add3A_651 = arith.addi %mul3A_2, %add3A_650 : i32
    %add3A_652 = arith.constant 1152 : i32
    %add3A_653 = arith.addi %mul3A_2, %add3A_652 : i32
    %dma_wait3A_654 = arith.constant 0 : i32
    %dma_wait3A_655 = tpu.memref_slice %arg4[%add3A_651, %dma_wait3A_654] : memref<43008x224xf32, #tpu.memory_space<hbm>> -> memref<96x128xf32, #tpu.memory_space<hbm>>
    %dma_wait3A_656 = arith.constant 0 : i32
    %dma_wait3A_657 = tpu.memref_slice %arg4[%add3A_651, %dma_wait3A_656] : memref<43008x224xf32, #tpu.memory_space<hbm>> -> memref<96x128xf32, #tpu.memory_space<hbm>>
    tpu.wait_dma2 semaphore(%arg16 : memref<!tpu.dma_semaphore, #tpu.memory_space<semaphore_mem>>) src(%arg10 : memref<96x128xf32, #tpu.memory_space<vmem>>) dst(%dma_wait3A_657 : memref<96x128xf32, #tpu.memory_space<hbm>>)
    %dma_wait3A_658 = arith.constant 128 : i32
    %dma_wait3A_659 = tpu.memref_slice %arg4[%add3A_653, %dma_wait3A_658] : memref<43008x224xf32, #tpu.memory_space<hbm>> -> memref<96x96xf32, #tpu.memory_space<hbm>>
    %dma_wait3A_660 = arith.constant 128 : i32
    %dma_wait3A_661 = tpu.memref_slice %arg4[%add3A_653, %dma_wait3A_660] : memref<43008x224xf32, #tpu.memory_space<hbm>> -> memref<96x96xf32, #tpu.memory_space<hbm>>
    tpu.wait_dma2 semaphore(%arg16 : memref<!tpu.dma_semaphore, #tpu.memory_space<semaphore_mem>>) src(%arg11 : memref<96x96xf32, #tpu.memory_space<vmem>>) dst(%dma_wait3A_661 : memref<96x96xf32, #tpu.memory_space<hbm>>)
    %add3A_662 = arith.constant 1248 : i32
    %add3A_663 = arith.addi %mul3A_2, %add3A_662 : i32
    %add3A_664 = arith.constant 1248 : i32
    %add3A_665 = arith.addi %mul3A_2, %add3A_664 : i32
    %dma_wait3A_666 = arith.constant 0 : i32
    %dma_wait3A_667 = tpu.memref_slice %arg4[%add3A_663, %dma_wait3A_666] : memref<43008x224xf32, #tpu.memory_space<hbm>> -> memref<96x128xf32, #tpu.memory_space<hbm>>
    %dma_wait3A_668 = arith.constant 0 : i32
    %dma_wait3A_669 = tpu.memref_slice %arg4[%add3A_663, %dma_wait3A_668] : memref<43008x224xf32, #tpu.memory_space<hbm>> -> memref<96x128xf32, #tpu.memory_space<hbm>>
    tpu.wait_dma2 semaphore(%arg17 : memref<!tpu.dma_semaphore, #tpu.memory_space<semaphore_mem>>) src(%arg12 : memref<96x128xf32, #tpu.memory_space<vmem>>) dst(%dma_wait3A_669 : memref<96x128xf32, #tpu.memory_space<hbm>>)
    %dma_wait3A_670 = arith.constant 128 : i32
    %dma_wait3A_671 = tpu.memref_slice %arg4[%add3A_665, %dma_wait3A_670] : memref<43008x224xf32, #tpu.memory_space<hbm>> -> memref<96x96xf32, #tpu.memory_space<hbm>>
    %dma_wait3A_672 = arith.constant 128 : i32
    %dma_wait3A_673 = tpu.memref_slice %arg4[%add3A_665, %dma_wait3A_672] : memref<43008x224xf32, #tpu.memory_space<hbm>> -> memref<96x96xf32, #tpu.memory_space<hbm>>
    tpu.wait_dma2 semaphore(%arg17 : memref<!tpu.dma_semaphore, #tpu.memory_space<semaphore_mem>>) src(%arg13 : memref<96x96xf32, #tpu.memory_space<vmem>>) dst(%dma_wait3A_673 : memref<96x96xf32, #tpu.memory_space<hbm>>)
    return
  }
}

module attributes {stable_mosaic.version = 14 : i64} {
  func.func @_lut_build_body(%arg0: memref<256xf32, #tpu.memory_space<smem>>, %arg1: memref<1xf32, #tpu.memory_space<smem>>, %arg2: memref<200x128xf32, #tpu.memory_space<vmem>>) attributes {dimension_semantics = [], scalar_prefetch = 0 : i64, scratch_operands = 0 : i64, tpu.core_type = #tpu.core_type<tc>} {
    %get3A = arith.constant 0 : index
    %get3A_0 = memref.load %arg1[%get3A] : memref<1xf32, #tpu.memory_space<smem>>
    %iota3A = tpu.iota {dimensions = array<i32: 0>} : vector<64x128xi32>
    %iota3A_1 = tpu.iota {dimensions = array<i32: 1>} : vector<64x128xi32>
    %mul3A = arith.constant 128 : i32
    %mul3A_2 = vector.broadcast %mul3A : i32 to vector<64x128xi32>
    %mul3A_3 = arith.muli %iota3A, %mul3A_2 : vector<64x128xi32>
    %add3A = arith.addi %mul3A_3, %iota3A_1 : vector<64x128xi32>
    %convert_element_type3A = arith.sitofp %add3A : vector<64x128xi32> to vector<64x128xf32>
    %mul3A_4 = arith.constant 3.125000e-02 : f32
    %mul3A_5 = vector.broadcast %mul3A_4 : f32 to vector<64x128xf32>
    %mul3A_6 = arith.mulf %convert_element_type3A, %mul3A_5 : vector<64x128xf32>
    %sub3A = arith.constant 1.280000e+02 : f32
    %sub3A_7 = vector.broadcast %sub3A : f32 to vector<64x128xf32>
    %sub3A_8 = arith.subf %mul3A_6, %sub3A_7 : vector<64x128xf32>
    %add3A_9 = arith.constant 3.125000e-02 : f32
    %add3A_10 = vector.broadcast %add3A_9 : f32 to vector<64x128xf32>
    %add3A_11 = arith.addf %sub3A_8, %add3A_10 : vector<64x128xf32>
    %broadcast_in_dim3A = arith.constant 3.400000e+38 : f32
    %broadcast_in_dim3A_12 = vector.broadcast %broadcast_in_dim3A : f32 to vector<64x128xf32>
    %broadcast_in_dim3A_13 = arith.constant 0.000000e+00 : f32
    %broadcast_in_dim3A_14 = vector.broadcast %broadcast_in_dim3A_13 : f32 to vector<64x128xf32>
    %scan3A = arith.constant 0 : i32
    %scan3A_15 = arith.constant 256 : i32
    %scan3A_16 = arith.addi %scan3A, %scan3A_15 : i32
    %scan3A_17 = arith.constant 1 : i32
    %scan3A_18:4 = scf.for %scan3A_50 = %scan3A to %scan3A_16 step %scan3A_17 iter_args(%scan3A_51 = %broadcast_in_dim3A_12, %scan3A_52 = %broadcast_in_dim3A_14, %scan3A_53 = %broadcast_in_dim3A_12, %scan3A_54 = %broadcast_in_dim3A_14) -> (vector<64x128xf32>, vector<64x128xf32>, vector<64x128xf32>, vector<64x128xf32>)  : i32 {
      %get3A_55 = arith.index_cast %scan3A_50 : i32 to index
      %get3A_56 = memref.load %arg0[%get3A_55] : memref<256xf32, #tpu.memory_space<smem>>
      %sub3A_57 = vector.broadcast %get3A_56 : f32 to vector<64x128xf32>
      %sub3A_58 = arith.subf %sub3A_8, %sub3A_57 : vector<64x128xf32>
      %abs3A = math.absf %sub3A_58 : vector<64x128xf32>
      %sub3A_59 = vector.broadcast %get3A_56 : f32 to vector<64x128xf32>
      %sub3A_60 = arith.subf %add3A_11, %sub3A_59 : vector<64x128xf32>
      %abs3A_61 = math.absf %sub3A_60 : vector<64x128xf32>
      %lt3A = arith.cmpf olt, %abs3A, %scan3A_51 : vector<64x128xf32>
      %lt3A_62 = arith.cmpf olt, %abs3A_61, %scan3A_53 : vector<64x128xf32>
      %select_n3A = arith.select %lt3A, %abs3A, %scan3A_51 : vector<64x128xi1>, vector<64x128xf32>
      %broadcast_in_dim3A_63 = vector.broadcast %get3A_56 : f32 to vector<64x128xf32>
      %select_n3A_64 = arith.select %lt3A, %broadcast_in_dim3A_63, %scan3A_52 : vector<64x128xi1>, vector<64x128xf32>
      %select_n3A_65 = arith.select %lt3A_62, %abs3A_61, %scan3A_53 : vector<64x128xi1>, vector<64x128xf32>
      %broadcast_in_dim3A_66 = vector.broadcast %get3A_56 : f32 to vector<64x128xf32>
      %select_n3A_67 = arith.select %lt3A_62, %broadcast_in_dim3A_66, %scan3A_54 : vector<64x128xi1>, vector<64x128xf32>
      scf.yield %select_n3A, %select_n3A_64, %select_n3A_65, %select_n3A_67 : vector<64x128xf32>, vector<64x128xf32>, vector<64x128xf32>, vector<64x128xf32>
    }
    %scan3A_19 = arith.constant 256 : i32
    %add3A_20 = arith.constant 9.99999993E-9 : f32
    %add3A_21 = arith.addf %get3A_0, %add3A_20 : f32
    %div3A = arith.constant 1.280000e+02 : f32
    %div3A_22 = arith.divf %add3A_21, %div3A : f32
    %div3A_23 = arith.constant 1.280000e+02 : f32
    %div3A_24 = arith.divf %get3A_0, %div3A_23 : f32
    %add3A_25 = arith.addf %scan3A_18#1, %scan3A_18#3 : vector<64x128xf32>
    %mul3A_26 = arith.constant 5.000000e-01 : f32
    %mul3A_27 = arith.mulf %mul3A_26, %div3A_22 : f32
    %mul3A_28 = vector.broadcast %mul3A_27 : f32 to vector<64x128xf32>
    %mul3A_29 = arith.mulf %add3A_25, %mul3A_28 : vector<64x128xf32>
    %swap3A = arith.constant 0 : index
    %swap3A_30 = arith.constant 0 : index
    %swap3A_31 = vector.load %arg2[%swap3A, %swap3A_30] : memref<200x128xf32, #tpu.memory_space<vmem>>, vector<64x128xf32>
    tpu.vector_store %arg2[%swap3A, %swap3A_30], %mul3A_29 {strides = array<i32>} : memref<200x128xf32, #tpu.memory_space<vmem>>, vector<64x128xf32>,
    %mul3A_32 = vector.broadcast %div3A_24 : f32 to vector<64x128xf32>
    %mul3A_33 = arith.mulf %scan3A_18#1, %mul3A_32 : vector<64x128xf32>
    %swap3A_34 = arith.constant 64 : index
    %swap3A_35 = arith.constant 0 : index
    %swap3A_36 = vector.load %arg2[%swap3A_34, %swap3A_35] : memref<200x128xf32, #tpu.memory_space<vmem>>, vector<64x128xf32>
    tpu.vector_store %arg2[%swap3A_34, %swap3A_35], %mul3A_33 {strides = array<i32>} : memref<200x128xf32, #tpu.memory_space<vmem>>, vector<64x128xf32>,
    %mul3A_37 = vector.broadcast %div3A_24 : f32 to vector<64x128xf32>
    %mul3A_38 = arith.mulf %scan3A_18#3, %mul3A_37 : vector<64x128xf32>
    %swap3A_39 = arith.constant 128 : index
    %swap3A_40 = arith.constant 0 : index
    %swap3A_41 = vector.load %arg2[%swap3A_39, %swap3A_40] : memref<200x128xf32, #tpu.memory_space<vmem>>, vector<64x128xf32>
    tpu.vector_store %arg2[%swap3A_39, %swap3A_40], %mul3A_38 {strides = array<i32>} : memref<200x128xf32, #tpu.memory_space<vmem>>, vector<64x128xf32>,
    %add3A_42 = arith.constant 9.99999993E-9 : f32
    %add3A_43 = arith.addf %get3A_0, %add3A_42 : f32
    %div3A_44 = arith.constant 4.096000e+03 : f32
    %div3A_45 = arith.divf %div3A_44, %add3A_43 : f32
    %broadcast_in_dim3A_46 = vector.broadcast %div3A_45 : f32 to vector<8x128xf32>
    %swap3A_47 = arith.constant 192 : index
    %swap3A_48 = arith.constant 0 : index
    %swap3A_49 = vector.load %arg2[%swap3A_47, %swap3A_48] : memref<200x128xf32, #tpu.memory_space<vmem>>, vector<8x128xf32>
    tpu.vector_store %arg2[%swap3A_47, %swap3A_48], %broadcast_in_dim3A_46 {strides = array<i32>} : memref<200x128xf32, #tpu.memory_space<vmem>>, vector<8x128xf32>,
    return
  }
}

</mosaic_0001>

<sc_bundles>
// kernel: kernel.4.cloned.1.call-start
scs
__scs_entry_jumppad:
0x0: {  	(pc) =	sbr.rel $0x88, $3  }
0x1: {  	(tag) =	ssettag $0x0;
	lr =	simm.s32 $0x1  }
0x2: {  	[smem:$0x3F9E] =	sst lr;
	_ =	strace $0xD0000000  }
0x3: {  	_ = 	snop  }
0x4: {  	_ = 	snop  }
0x5: {  	_ = 	snop  }
0x6: {  	_ = 	snop  }
0x7: {  	_ = 	snop  }
__scs_overlays_trampoline_lowered:
0x8: {  	[smem:$0x3FAD] =	sst s0  }
0x9: {  	[smem:$0x3FAE] =	sst s1  }
0xa: {  	[smem:$0x3FAF] =	sst s2  }
0xb: {  	[smem:$0x3FB0] =	sst s3  }
0xc: {  	[smem:$0x3FB1] =	sst s4  }
0xd: {  	[smem:$0x3FB2] =	sst s5  }
0xe: {  	[smem:$0x3FB3] =	sst s6  }
0xf: {  	[smem:$0x3FB4] =	sst s7  }
0x10: {  	[smem:$0x3FB5] =	sst s8  }
0x11: {  	[smem:$0x3FB6] =	sst s9;
	s0 =	simm.s32 @!p0 $0x0  }
0x12: {  	s1 =	sld [smem:$0x3F9C];
	s0 =	simm.s32 @p0 $0x1  }
0x13: {  	[smem:$0x3FB7] =	sst s0;
	s0 =	simm.s32 @!p1 $0x0  }
0x14: {  	s2 =	sld [smem:$0x3F9B];
	s0 =	simm.s32 @p1 $0x1  }
0x15: {  	[smem:$0x3FB8] =	sst s0;
	s0 =	simm.s32 @!p2 $0x0  }
0x16: {  	s3 =	sld [smem:$0x3FDB];
	s0 =	simm.s32 @p2 $0x1  }
0x17: {  	s4 =	simm.s32 $0x1BF5;
	[smem:$0x3FBA] =	sst s0  }
0x18: {  	s0 =	sld [smem:$0x3F9D];
	_ =	swait.ge [sflag:s4], $0x0  }
0x19: {  	s7 =	sld [smem:$0x3F9E]  }
0x1a: {  	s8 =	sadd.s32 $0xFFFFE003, lr  }
0x1b: {  	s9 =	sadd.s32 $0xFFFFFEF7, lr;
	s5 =	simm.s32 $0xFFFFFFFF;
	p2 =	slt.u32 s8, $0xFFFFF086  }
0x1c: {  	p1 =	slt.u32 s9, $0xF7A;
	s5 =	simm.s32 @!p2 $0x0  }
0x1d: {  	s5 =	simm.s32 @p1 $0x1;
	p0 =	seq.s32 s7, s2  }
0x1e: {  	s7 =	smul.u32 @!p0 $0xF7A, s2;
	p2 =	seq.s32 @!p0 s5, $0x0  }
0x1f: {  	s9 =	smul.u32 $0xF7A, s1;
	s8 =	simm.s32 @!p0 $0x1BF5;
	p2 =	por !p2, p0  }
0x20: {  	[sflag:s8] =	ssyncset.s32 @!p0 $0xFFFFF086;
	s6 =	sadd.s32 @!p0 s3, s7;
	s7 =	simm.s32 @!p0 $0x108  }
0x21: {  	s3 =	sadd.s32 s3, s9;
	s6 =	sadd.s32 @!p0 $0x88, s6;
	s7 =	simm.s32 @p2 $0x1082  }
0x22: {  	[simem:s7], [sflag:s8] =	dma.local @!p0 [hbm:s6], $0xF7A  }
0x23: {  	s9 =	sor.u32 $0xD0000000, s2;
	s6 =	simm.s32 $0x108;
	_ =	swait.ge @!p0 [sflag:s8], $0x0  }
0x24: {  	s3 =	sadd.s32 $0x88, s3;
	s6 =	simm.s32 @!p1 $0x1082;
	[sflag:s4] =	ssyncset.s32 $0xFFFFF086  }
0x25: {  	[simem:s6], [sflag:s4] =	dma.local [hbm:s3], $0xF7A  }
0x26: {  	[smem:$0x3F9E] =	sst s1;
	(tag) =	ssettag s2;
	_ =	strace s9  }
0x27: {  	s1 =	sld [smem:$0x3FAE]  }
0x28: {  	s2 =	sld [smem:$0x3FAF]  }
0x29: {  	s4 =	sld [smem:$0x3FB1]  }
0x2a: {  	p0 =	seq.s32 s5, $0x0;
	s5 =	sld [smem:$0x3FB2]  }
0x2b: {  	s6 =	sld [smem:$0x3FB3]  }
0x2c: {  	s7 =	sld [smem:$0x3FB4]  }
0x2d: {  	s3 =	simm.s32 $0x108;
	s8 =	sld [smem:$0x3FB5]  }
0x2e: {  	s3 =	simm.s32 @!p0 $0x1082;
	s9 =	sld [smem:$0x3FB6]  }
0x2f: {  	lr =	sadd.s32 s0, s3;
	s0 =	sld [smem:$0x3FAD]  }
0x30: {  	s3 =	sld [smem:$0x3FB0]  }
0x31: {  	[smem:$0x3FB9] =	sst s10  }
0x32: {  	s10 =	sld [smem:$0x3FB7];
	_ =	sdelay $0x3  }
0x33: {  	p0 =	seq.s32 s10, $0x1;
	s10 =	sld [smem:$0x3FB9];
	_ =	sdelay $0x3  }
0x34: {  	[smem:$0x3FB9] =	sst s10  }
0x35: {  	s10 =	sld [smem:$0x3FB8];
	_ =	sdelay $0x3  }
0x36: {  	p1 =	seq.s32 s10, $0x1;
	s10 =	sld [smem:$0x3FB9];
	_ =	sdelay $0x3  }
0x37: {  	[smem:$0x3FB9] =	sst s10  }
0x38: {  	s10 =	sld [smem:$0x3FBA]  }
0x39: {  	_ = 	snop;
	(pc) =	sbr.ind lr, $3  }
0x3a: {  	_ = 	snop  }
0x3b: {  	_ = 	snop  }
0x3c: {  	p2 =	seq.s32 s10, $0x1;
	s10 =	sld [smem:$0x3FB9]  }
0x3d: {  	_ =	shalt  }
0x3e: {  	_ =	shalt  }
0x3f: {  	_ =	shalt  }
0x40: {  	_ =	shalt  }
0x41: {  	_ =	shalt  }
0x42: {  	_ =	shalt  }
0x43: {  	_ =	shalt  }
0x44: {  	_ =	shalt  }
0x45: {  	_ =	shalt  }
0x46: {  	_ =	shalt  }
0x47: {  	_ =	shalt  }
0x48: {  	_ =	shalt  }
0x49: {  	_ =	shalt  }
0x4a: {  	_ =	shalt  }
0x4b: {  	_ =	shalt  }
0x4c: {  	_ =	shalt  }
0x4d: {  	_ =	shalt  }
0x4e: {  	_ =	shalt  }
0x4f: {  	_ =	shalt  }
0x50: {  	_ =	shalt  }
0x51: {  	_ =	shalt  }
0x52: {  	_ =	shalt  }
0x53: {  	_ =	shalt  }
0x54: {  	_ =	shalt  }
0x55: {  	_ =	shalt  }
0x56: {  	_ =	shalt  }
0x57: {  	_ =	shalt  }
0x58: {  	_ =	shalt  }
0x59: {  	_ =	shalt  }
0x5a: {  	_ =	shalt  }
0x5b: {  	_ =	shalt  }
0x5c: {  	_ =	shalt  }
0x5d: {  	_ =	shalt  }
0x5e: {  	_ =	shalt  }
0x5f: {  	_ =	shalt  }
0x60: {  	_ =	shalt  }
0x61: {  	_ =	shalt  }
0x62: {  	_ =	shalt  }
0x63: {  	_ =	shalt  }
0x64: {  	_ =	shalt  }
0x65: {  	_ =	shalt  }
0x66: {  	_ =	shalt  }
0x67: {  	_ =	shalt  }
0x68: {  	_ =	shalt  }
0x69: {  	_ =	shalt  }
0x6a: {  	_ =	shalt  }
0x6b: {  	_ =	shalt  }
0x6c: {  	_ =	shalt  }
0x6d: {  	_ =	shalt  }
0x6e: {  	_ =	shalt  }
0x6f: {  	_ =	shalt  }
0x70: {  	_ =	shalt  }
0x71: {  	_ =	shalt  }
0x72: {  	_ =	shalt  }
0x73: {  	_ =	shalt  }
0x74: {  	_ =	shalt  }
0x75: {  	_ =	shalt  }
0x76: {  	_ =	shalt  }
0x77: {  	_ =	shalt  }
0x78: {  	_ =	shalt  }
0x79: {  	_ =	shalt  }
0x7a: {  	_ =	shalt  }
0x7b: {  	_ =	shalt  }
0x7c: {  	_ =	shalt  }
0x7d: {  	_ =	shalt  }
0x7e: {  	_ =	shalt  }
0x7f: {  	_ =	shalt  }
0x80: {  	_ =	shalt  }
0x81: {  	_ =	shalt  }
0x82: {  	_ =	shalt  }
0x83: {  	_ =	shalt  }
0x84: {  	_ =	shalt  }
0x85: {  	_ =	shalt  }
0x86: {  	_ =	shalt  }
0x87: {  	_ =	shalt  }
.Lfunc_end0:
.L_simem_size_0:
called_computation_lowered:
.L_overlay_start_0:
0x88: {  	s2 =	sld [smem:$0x3FD9]  }
0x89: {  	s3 =	sld [smem:$0x3FFE];
	_ =	sdelay $0x1  }
0x8a: {  	s1 =	srdreg.scid  }
0x8b: {  	s0 =	sand.u32 $0x1, s1  }
0x8c: {  	s17 =	sshll.u32 s0, $0xA;
	s2 =	sadd.s32 s3, s2  }
0x8d: {  	s2 =	sadd.s32 s2, s17  }
0x8e: {  	[smem:$0x3FC5] =	sst s2  }
0x8f: {  	_ = 	snop  }
0x90: {  	s2 =	sld [smem:$0x3FC9]  }
0x91: {  	s18 =	sld [smem:$0x3FD0];
	(tm) =	ssettm $0x1  }
0x92: {  	s4 =	sld [smem:$0x3FFB];
	_ =	sdelay $0x3  }
0x93: {  	_ =	strace s4  }
0x94: {  	s4 =	sld [smem:$0x3FFC];
	_ =	sdelay $0x3  }
0x95: {  	_ =	strace s4  }
0x96: {  	s4 =	sld [smem:$0x3FFD];
	_ =	sdelay $0x3  }
0x97: {  	_ =	strace s4  }
0x98: {  	_ =	strace $0x8FFFFFFF  }
0x99: {  	s19 =	sld [smem:$0x3FDB];
	_ =	sdelay $0x1  }
0x9a: {  	s5 =	simm.s32 $_scs_section_size  }
0x9b: {  	s6 =	simm.s32 $_size__tile_overlayer_lowered;
	s7 =	simm.s32 $_tile_overlayer_lowered  }
0x9c: {  	s22 =	simm.s32 $0x1BFF;
	s21 =	sshll.u32 s7, $0x1;
	s4 =	sadd.s32 s5, s19  }
0x9d: {  	s8 =	simm.s32 $0x0;
	s20 =	sshll.u32 s6, $0x1;
	s6 =	sadd.s32 s21, s4  }
0x9e: {  	[timem:s8], [sflag:s22] =	dma.local [hbm:s6], s20  }
0x9f: {  	_ =	swait.ge [sflag:s22], s20  }
0xa0: {  	s5 =	ssub.s32 $0x0, s20;
	[sflag:s22] =	ssyncset.done $0x0  }
0xa1: {  	[sflag:s22] =	ssyncadd.s32 s5;
	_ =	sdelay $0x1  }
0xa2: {  	s23 =	simm.s32 $0x1B8B  }
0xa3: {  	_ =	swait.ge [sflag:s23], $0x1  }
0xa4: {  	[sflag:s23] =	ssyncset.done $0x0  }
0xa5: {  	s25 =	simm.s32 $0x1B8E;
	s24 =	sld [smem:$0x3FFE];
	[sflag:s23] =	ssyncadd.s32 $0xFFFFFFFF  }
0xa6: {  	s26 =	simm.s32 $execute0_lowered;
	[smem:$0x3FD2] =	sst s25  }
0xa7: {  	s6 =	sshll.u32 s26, $0x1;
	_ =	strace $0x80000046;
	[dreg:$0x1] =	wrdreg $0xFFFFFFFF  }
0xa8: {  	s28 =	simm.s32 $_size_execute0_lowered;
	s4 =	sadd.s32 s4, s6;
	[dreg:$0x0] =	wrdreg $0x0  }
0xa9: {  	s6 =	sshll.u32 s28, $0x1;
	[dreg:$0x2] =	wrdreg s4  }
0xaa: {  	[dreg:$0x3] =	wrdreg s6  }
0xab: {  	[dreg:$0x4] =	wrdreg $0xC0  }
0xac: {  	_ =	task [dreg:s8], $0x5FFFF  }
0xad: {  	[dreg:$0x1] =	wrdreg $0xFFFFFFFF  }
0xae: {  	[dreg:$0x0] =	wrdreg $0x60  }
0xaf: {  	[dreg:$0x2] =	wrdreg s2  }
0xb0: {  	[dreg:$0x3] =	wrdreg s24  }
0xb1: {  	[dreg:$0x4] =	wrdreg s18  }
0xb2: {  	[dreg:$0x5] =	wrdreg $0x9  }
0xb3: {  	_ =	task.clear_ibuf [dreg:s8], $0x6FFFF;
	_ =	strace $0x90000046  }
0xb4: {  	s29 =	simm.s32 $0x9;
	_ =	strace $0x80000048  }
0xb5: {  	_ =	swait.ge [sflag:s29], $0x1  }
0xb6: {  	[sflag:s29] =	ssyncadd.s32 $0xFFFFFFFF  }
0xb7: {  	_ =	strace $0x90000048  }
0xb8: {  	_ =	sfence  }
0xb9: {  	s30 =	sld [smem:$0x0];
	_ =	sdelay $0x2  }
0xba: {  	s31 =	sshll.u32 s1, $0xD;
	s1 =	sshrl.u32 s1, $0x2  }
0xbb: {  	s3 =	sand.u32 $0x4000, s31;
	s1 =	sadd.s32 s1, s30  }
0xbc: {  	s0 =	sor.u32 s3, s0;
	s1 =	sshll.u32 s1, $0x11  }
0xbd: {  	s0 =	sor.u32 s1, s0  }
0xbe: {  	s0 =	sadd.s32 $0x8F2B, s0  }
0xbf: {  	[sflag:s0] =	ssyncadd.remote.s32 $0x1  }
0xc0: {  	_ =	sfence.sel $0xFFFF  }
0xc1: {  	[dreg:$0x0] =	wrdreg $0xFFFFFFFF;
	(pc) =	sbr.abs _section_cstart, $3  }
0xc2: {  	[dreg:$0x1] =	wrdreg $0xFFFFFFFF  }
0xc3: {  	_ =	task.clear_ibuf [dreg:s8], $0x2FFFF;
	_ =	strace $0x9FFFFFFF  }
0xc4: {  	(tm) =	ssettm $0x7FFFFFFF  }
0xc5: {  	_ =	shalt  }
tec
execute0_lowered:
.L_overlay_start_1:
0x0: {  	(tag) =	ssettag $0x1  }
0x1: {  	s0 =	srdreg.scid;
	s3 =	stileid.u32  }
0x2: {  	s4 =	sand.u32 $0x1, s0;
	s11 =	sshll.u32 s3, $0x1  }
0x3: {  	s1 =	rddreg [dreg:$0x0];
	s0 =	sor.u32 s4, s11  }
0x4: {  	s2 =	rddreg [dreg:$0x1];
	s0 =	smul.u32 $0x54000, s0  }
0x5: {  	s5 =	simm.s32 $0x0;
	s3 =	rddreg [dreg:$0x2]  }
0x6: {  	[smem:$0x7FF] =	sst s5;
	s12 =	sadd.s32 $0x800, s2;
	s2 =	sshrl.u32 s0, $0x3  }
0x7: {  	_ =	strace $0x80000047;
	[dreg:$0x4] =	wrdreg s12;
	s0 =	sadd.s32 s1, s2  }
0x8: {  	s13 =	sor.u32 $0x80, s2;
	s17 =	sadd.s32 s3, s2;
	[dreg:$0x5] =	wrdreg s0  }
0x9: {  	s6 =	sadd.s32 $0xC00, s2;
	s14 =	sadd.s32 s1, s13;
	[dreg:$0x9] =	wrdreg s17  }
0xa: {  	s7 =	sadd.s32 $0xC80, s2;
	s15 =	sadd.s32 s1, s6;
	[dreg:$0x6] =	wrdreg s14  }
0xb: {  	s16 =	sadd.s32 s1, s7;
	[dreg:$0x7] =	wrdreg s15  }
0xc: {  	s19 =	sadd.s32 $0x1800, s2;
	s18 =	sadd.s32 s3, s13;
	[dreg:$0x8] =	wrdreg s16  }
0xd: {  	s8 =	sadd.s32 $0x1880, s2;
	s20 =	sadd.s32 s1, s19;
	[dreg:$0xa] =	wrdreg s18  }
0xe: {  	s21 =	sadd.s32 s1, s8;
	[dreg:$0xb] =	wrdreg s20  }
0xf: {  	s22 =	sadd.s32 s3, s6;
	[dreg:$0xc] =	wrdreg s21  }
0x10: {  	s24 =	sadd.s32 $0x2400, s2;
	s23 =	sadd.s32 s3, s7;
	[dreg:$0xd] =	wrdreg s22  }
0x11: {  	s26 =	sadd.s32 $0x2480, s2;
	s25 =	sadd.s32 s1, s24;
	[dreg:$0xe] =	wrdreg s23  }
0x12: {  	s9 =	sadd.s32 s1, s26;
	[dreg:$0xf] =	wrdreg s25  }
0x13: {  	s10 =	sadd.s32 s3, s19;
	[dreg:$0x10] =	wrdreg s9  }
0x14: {  	s12 =	sadd.s32 $0x3000, s2;
	s11 =	sadd.s32 s3, s8;
	[dreg:$0x11] =	wrdreg s10  }
0x15: {  	s13 =	sadd.s32 s1, s12;
	[dreg:$0x12] =	wrdreg s11  }
0x16: {  	s17 =	sadd.s32 s3, s26;
	[dreg:$0x13] =	wrdreg s13  }
0x17: {  	[dreg:$0x16] =	wrdreg s17  }
0x18: {  	s16 =	sadd.s32 s3, s24;
	s0 =	rddreg [dreg:$0x5]  }
0x19: {  	s26 =	sadd.s32 $0x4880, s2;
	s22 =	sadd.s32 s3, s12;
	[dreg:$0x15] =	wrdreg s16  }
0x1a: {  	s28 =	simm.s32 $0x6400;
	s9 =	sadd.s32 s1, s26;
	[dreg:$0x19] =	wrdreg s22  }
0x1b: {  	s14 =	sadd.s32 $0x3080, s2;
	s17 =	sadd.s32 s3, s26;
	[dreg:$0x1c] =	wrdreg s9  }
0x1c: {  	s18 =	sadd.s32 $0x3C00, s2;
	s15 =	sadd.s32 s1, s14;
	[smem:$0x7F0] =	sst s17  }
0x1d: {  	s20 =	sadd.s32 $0x3C80, s2;
	s19 =	sadd.s32 s1, s18;
	[dreg:$0x14] =	wrdreg s15  }
0x1e: {  	s29 =	simm.s32 $0x9400;
	s21 =	sadd.s32 s1, s20;
	[dreg:$0x17] =	wrdreg s19  }
0x1f: {  	s24 =	sadd.s32 $0x4800, s2;
	s23 =	sadd.s32 s3, s14;
	[dreg:$0x18] =	wrdreg s21  }
0x20: {  	s31 =	simm.s32 $0x5;
	s25 =	sadd.s32 s1, s24;
	[dreg:$0x1a] =	wrdreg s23  }
0x21: {  	p0 =	por $0x0, $0x0;
	s10 =	sadd.s32 s3, s18;
	[dreg:$0x1b] =	wrdreg s25  }
0x22: {  	s12 =	sadd.s32 $0x5400, s2;
	s11 =	sadd.s32 s3, s20;
	[dreg:$0x1d] =	wrdreg s10  }
0x23: {  	s5 =	simm.s32 $0x800;
	s13 =	sadd.s32 s1, s12;
	[dreg:$0x1e] =	wrdreg s11  }
0x24: {  	s4 =	ssub.s32 $0x2, s4;
	s16 =	sadd.s32 s3, s24;
	[dreg:$0x1f] =	wrdreg s13  }
0x25: {  	s14 =	sadd.s32 $0x5480, s2;
	s22 =	sadd.s32 s3, s12;
	[smem:$0x7EF] =	sst s16  }
0x26: {  	s18 =	sadd.s32 $0x6000, s2;
	s15 =	sadd.s32 s1, s14;
	[smem:$0x7F3] =	sst s22  }
0x27: {  	s20 =	sadd.s32 $0x6080, s2;
	s19 =	sadd.s32 s1, s18;
	[smem:$0x7EE] =	sst s15  }
0x28: {  	s6 =	simm.s32 $0x4;
	s21 =	sadd.s32 s1, s20;
	[smem:$0x7F1] =	sst s19  }
0x29: {  	s24 =	sadd.s32 $0x6C00, s2;
	s23 =	sadd.s32 s3, s14;
	[smem:$0x7F2] =	sst s21  }
0x2a: {  	s26 =	sadd.s32 $0x6C80, s2;
	s25 =	sadd.s32 s1, s24;
	[smem:$0x7F4] =	sst s23  }
0x2b: {  	s9 =	sshrl.u32 s4, $0x1;
	s10 =	sadd.s32 s1, s26;
	[smem:$0x7F5] =	sst s25  }
0x2c: {  	s11 =	sadd.s32 s3, s18;
	s12 =	sadd.s32 s3, s20;
	[smem:$0x7F6] =	sst s10  }
0x2d: {  	s13 =	sadd.s32 $0x7800, s2;
	s17 =	sadd.s32 s3, s24;
	[smem:$0x7F7] =	sst s11  }
0x2e: {  	s18 =	sadd.s32 s3, s26;
	s4 =	ssub.s32 s4, s9;
	[smem:$0x7F8] =	sst s12  }
0x2f: {  	s9 =	simm.s32 $0x3;
	s14 =	sadd.s32 s1, s13;
	[smem:$0x7FB] =	sst s17  }
0x30: {  	s15 =	sadd.s32 $0x7880, s2;
	s19 =	sadd.s32 $0x8400, s2;
	[smem:$0x7FC] =	sst s18  }
0x31: {  	s25 =	sadd.s32 $0x8480, s2;
	s20 =	sadd.s32 s3, s13;
	s10 =	sadd.s32 $0x9000, s2  }
0x32: {  	s11 =	sadd.s32 $0x9080, s2;
	s13 =	sadd.s32 $0x9C00, s2;
	s17 =	sadd.s32 $0x9C80, s2  }
0x33: {  	s18 =	smax.u32 s4, $0x1;
	s4 =	simm.s32 $0x400;
	[smem:$0x7F9] =	sst s14  }
0x34: {  	s16 =	sadd.s32 s1, s15;
	s24 =	sadd.s32 s1, s19;
	s26 =	sadd.s32 s1, s25  }
0x35: {  	s21 =	sadd.s32 s3, s15;
	s22 =	sadd.s32 s1, s10;
	s23 =	sadd.s32 s1, s11  }
0x36: {  	s12 =	sadd.s32 s3, s19;
	s14 =	sadd.s32 s3, s25;
	s15 =	sadd.s32 s1, s13  }
0x37: {  	s7 =	sadd.s32 s3, s10;
	s8 =	sadd.s32 s3, s11;
	p1 =	sne.s32 s18, $0x1  }
.Ltmp0:
0x38: {  	s2 =	sadd.s32 s3, s13;
	s3 =	sadd.s32 s3, s17;
	(pc) =	sbr.rel @!p1 .LBB2_1-.Ltmp0, $4  }
0x39: {  	s25 =	simm.s32 $0xF400;
	s19 =	simm.s32 $0x1;
	s30 =	sadd.s32 $0xFFFFFFFF, s18  }
0x3a: {  	s18 =	simm.s32 $0x15400;
	s13 =	simm.s32 $0x2;
	[smem:$0x7FA] =	sst s16  }
0x3b: {  	s10 =	simm.s32 $0x18400;
	s11 =	simm.s32 $0x1B400;
	[smem:$0x7FD] =	sst s24  }
0x3c: {  	s16 =	sadd.s32 s1, s17;
	s24 =	simm.s32 $0xC400;
	s17 =	simm.s32 $0x12400  }
0x3d: {  	[tilespmem:s28], [sflag:$0x1] =	stream.strided.gather [hbm4b:s0+s4], $0x3000, s5, s4, $0x38;
	[tilespmem:$0x1E400] =	vst v63  }
0x3e: {  	s1 =	rddreg [dreg:$0x6]  }
0x3f: {  	[tilespmem:s29], [sflag:$0x1] =	stream.strided.gather [hbm4b:s1+s4], $0x3000, s5, s4, $0x38;
	[tilespmem:$0x1E400] =	vst v63  }
0x40: {  	s0 =	rddreg [dreg:$0x4];
	s1 =	simm.s32 $0x0  }
0x41: {  	[tilespmem:s1], [sflag:$0x5] =	stream.linear.gather [hbm4b:s0+s1], $0x6400, $0x38;
	[tilespmem:$0x1E400] =	vst v63  }
0x42: {  	_ =	swait.ge [sflag:s31], $0x6400  }
0x43: {  	[sflag:s31] =	ssyncset.done $0x0  }
0x44: {  	s0 =	rddreg [dreg:$0x7];
	[sflag:s31] =	ssyncadd.s32 $0xFFFF9C00  }
0x45: {  	[tilespmem:s24], [sflag:$0x2] =	stream.strided.gather [hbm4b:s0+s4], $0x3000, s5, s4, $0x38;
	[tilespmem:$0x1E400] =	vst v63  }
0x46: {  	s1 =	rddreg [dreg:$0x8]  }
0x47: {  	[tilespmem:s25], [sflag:$0x2] =	stream.strided.gather [hbm4b:s1+s4], $0x3000, s5, s4, $0x38;
	[tilespmem:$0x1E400] =	vst v63  }
0x48: {  	_ =	swait.ge [sflag:s19], $0x3000  }
0x49: {  	[sflag:s19] =	ssyncset.done $0x0  }
0x4a: {  	[sflag:s19] =	ssyncadd.s32 $0xFFFFD000  }
0x4b: {  	_ =	swait.ge [sflag:s19], $0x3000  }
0x4c: {  	[sflag:s19] =	ssyncset.done $0x0  }
0x4d: {  	s0 =	rddreg [dreg:$0x9];
	[sflag:s19] =	ssyncadd.s32 $0xFFFFD000  }
0x4e: {  	[hbm4b:s0+s4] =	stream.strided.scatter [tilespmem:s17], [sflag:$0x3], $0x3000, s5, s4, $0x38;
	[tilespmem:$0x1E400] =	vst v63  }
0x4f: {  	s1 =	rddreg [dreg:$0xa]  }
0x50: {  	[hbm4b:s1+s4] =	stream.strided.scatter [tilespmem:s18], [sflag:$0x3], $0x3000, s5, s4, $0x38;
	[tilespmem:$0x1E400] =	vst v63  }
0x51: {  	s0 =	rddreg [dreg:$0xb]  }
0x52: {  	[tilespmem:s28], [sflag:$0x1] =	stream.strided.gather [hbm4b:s0+s4], $0x3000, s5, s4, $0x38;
	[tilespmem:$0x1E400] =	vst v63  }
0x53: {  	s1 =	rddreg [dreg:$0xc]  }
0x54: {  	[tilespmem:s29], [sflag:$0x1] =	stream.strided.gather [hbm4b:s1+s4], $0x3000, s5, s4, $0x38;
	[tilespmem:$0x1E400] =	vst v63  }
0x55: {  	_ =	swait.ge [sflag:s13], $0x3000  }
0x56: {  	[sflag:s13] =	ssyncset.done $0x0  }
0x57: {  	[sflag:s13] =	ssyncadd.s32 $0xFFFFD000  }
0x58: {  	_ =	swait.ge [sflag:s13], $0x3000  }
0x59: {  	[sflag:s13] =	ssyncset.done $0x0  }
0x5a: {  	s0 =	rddreg [dreg:$0xd];
	[sflag:s13] =	ssyncadd.s32 $0xFFFFD000  }
0x5b: {  	[hbm4b:s0+s4] =	stream.strided.scatter [tilespmem:s10], [sflag:$0x4], $0x3000, s5, s4, $0x38;
	[tilespmem:$0x1E400] =	vst v63  }
0x5c: {  	s1 =	rddreg [dreg:$0xe]  }
0x5d: {  	[hbm4b:s1+s4] =	stream.strided.scatter [tilespmem:s11], [sflag:$0x4], $0x3000, s5, s4, $0x38;
	[tilespmem:$0x1E400] =	vst v63  }
0x5e: {  	s0 =	rddreg [dreg:$0xf]  }
0x5f: {  	[tilespmem:s24], [sflag:$0x2] =	stream.strided.gather [hbm4b:s0+s4], $0x3000, s5, s4, $0x38;
	[tilespmem:$0x1E400] =	vst v63  }
0x60: {  	s1 =	rddreg [dreg:$0x10]  }
0x61: {  	[tilespmem:s25], [sflag:$0x2] =	stream.strided.gather [hbm4b:s1+s4], $0x3000, s5, s4, $0x38;
	[tilespmem:$0x1E400] =	vst v63  }
0x62: {  	_ =	swait.ge [sflag:s19], $0x3000  }
0x63: {  	[sflag:s19] =	ssyncset.done $0x0  }
0x64: {  	[sflag:s19] =	ssyncadd.s32 $0xFFFFD000  }
0x65: {  	_ =	swait.ge [sflag:s19], $0x3000  }
0x66: {  	[sflag:s19] =	ssyncset.done $0x0  }
0x67: {  	[sflag:s19] =	ssyncadd.s32 $0xFFFFD000  }
0x68: {  	_ =	swait.ge [sflag:s9], $0x3000  }
0x69: {  	[sflag:s9] =	ssyncset.done $0x0  }
0x6a: {  	[sflag:s9] =	ssyncadd.s32 $0xFFFFD000  }
0x6b: {  	_ =	swait.ge [sflag:s9], $0x3000  }
0x6c: {  	[sflag:s9] =	ssyncset.done $0x0  }
0x6d: {  	s0 =	rddreg [dreg:$0x11];
	[sflag:s9] =	ssyncadd.s32 $0xFFFFD000  }
0x6e: {  	[hbm4b:s0+s4] =	stream.strided.scatter [tilespmem:s17], [sflag:$0x3], $0x3000, s5, s4, $0x38;
	[tilespmem:$0x1E400] =	vst v63  }
0x6f: {  	s1 =	rddreg [dreg:$0x12]  }
0x70: {  	[hbm4b:s1+s4] =	stream.strided.scatter [tilespmem:s18], [sflag:$0x3], $0x3000, s5, s4, $0x38;
	[tilespmem:$0x1E400] =	vst v63  }
0x71: {  	s0 =	rddreg [dreg:$0x13]  }
0x72: {  	[tilespmem:s28], [sflag:$0x1] =	stream.strided.gather [hbm4b:s0+s4], $0x3000, s5, s4, $0x38;
	[tilespmem:$0x1E400] =	vst v63  }
0x73: {  	s1 =	rddreg [dreg:$0x14]  }
0x74: {  	[tilespmem:s29], [sflag:$0x1] =	stream.strided.gather [hbm4b:s1+s4], $0x3000, s5, s4, $0x38;
	[tilespmem:$0x1E400] =	vst v63  }
0x75: {  	_ =	swait.ge [sflag:s13], $0x3000  }
0x76: {  	[sflag:s13] =	ssyncset.done $0x0  }
0x77: {  	[sflag:s13] =	ssyncadd.s32 $0xFFFFD000  }
0x78: {  	_ =	swait.ge [sflag:s13], $0x3000  }
0x79: {  	[sflag:s13] =	ssyncset.done $0x0  }
0x7a: {  	[sflag:s13] =	ssyncadd.s32 $0xFFFFD000  }
0x7b: {  	_ =	swait.ge [sflag:s6], $0x3000  }
0x7c: {  	[sflag:s6] =	ssyncset.done $0x0  }
0x7d: {  	[sflag:s6] =	ssyncadd.s32 $0xFFFFD000  }
0x7e: {  	_ =	swait.ge [sflag:s6], $0x3000  }
0x7f: {  	[sflag:s6] =	ssyncset.done $0x0  }
0x80: {  	s0 =	rddreg [dreg:$0x15];
	[sflag:s6] =	ssyncadd.s32 $0xFFFFD000  }
0x81: {  	[hbm4b:s0+s4] =	stream.strided.scatter [tilespmem:s10], [sflag:$0x4], $0x3000, s5, s4, $0x38;
	[tilespmem:$0x1E400] =	vst v63  }
0x82: {  	s1 =	rddreg [dreg:$0x16]  }
0x83: {  	[hbm4b:s1+s4] =	stream.strided.scatter [tilespmem:s11], [sflag:$0x4], $0x3000, s5, s4, $0x38;
	[tilespmem:$0x1E400] =	vst v63  }
0x84: {  	s0 =	rddreg [dreg:$0x17]  }
0x85: {  	[tilespmem:s24], [sflag:$0x2] =	stream.strided.gather [hbm4b:s0+s4], $0x3000, s5, s4, $0x38;
	[tilespmem:$0x1E400] =	vst v63  }
0x86: {  	s1 =	rddreg [dreg:$0x18]  }
0x87: {  	[tilespmem:s25], [sflag:$0x2] =	stream.strided.gather [hbm4b:s1+s4], $0x3000, s5, s4, $0x38;
	[tilespmem:$0x1E400] =	vst v63  }
0x88: {  	_ =	swait.ge [sflag:s19], $0x3000  }
0x89: {  	[sflag:s19] =	ssyncset.done $0x0  }
0x8a: {  	[sflag:s19] =	ssyncadd.s32 $0xFFFFD000  }
0x8b: {  	_ =	swait.ge [sflag:s19], $0x3000  }
0x8c: {  	[sflag:s19] =	ssyncset.done $0x0  }
0x8d: {  	[sflag:s19] =	ssyncadd.s32 $0xFFFFD000  }
0x8e: {  	_ =	swait.ge [sflag:s9], $0x3000  }
0x8f: {  	[sflag:s9] =	ssyncset.done $0x0  }
0x90: {  	[sflag:s9] =	ssyncadd.s32 $0xFFFFD000  }
0x91: {  	_ =	swait.ge [sflag:s9], $0x3000  }
0x92: {  	[sflag:s9] =	ssyncset.done $0x0  }
0x93: {  	s0 =	rddreg [dreg:$0x19];
	[sflag:s9] =	ssyncadd.s32 $0xFFFFD000  }
0x94: {  	[hbm4b:s0+s4] =	stream.strided.scatter [tilespmem:s17], [sflag:$0x3], $0x3000, s5, s4, $0x38;
	[tilespmem:$0x1E400] =	vst v63  }
0x95: {  	s1 =	rddreg [dreg:$0x1a]  }
0x96: {  	[hbm4b:s1+s4] =	stream.strided.scatter [tilespmem:s18], [sflag:$0x3], $0x3000, s5, s4, $0x38;
	[tilespmem:$0x1E400] =	vst v63  }
0x97: {  	s0 =	rddreg [dreg:$0x1b]  }
0x98: {  	[tilespmem:s28], [sflag:$0x1] =	stream.strided.gather [hbm4b:s0+s4], $0x3000, s5, s4, $0x38;
	[tilespmem:$0x1E400] =	vst v63  }
0x99: {  	s1 =	rddreg [dreg:$0x1c]  }
0x9a: {  	[tilespmem:s29], [sflag:$0x1] =	stream.strided.gather [hbm4b:s1+s4], $0x3000, s5, s4, $0x38;
	[tilespmem:$0x1E400] =	vst v63  }
0x9b: {  	_ =	swait.ge [sflag:s13], $0x3000  }
0x9c: {  	[sflag:s13] =	ssyncset.done $0x0  }
0x9d: {  	[sflag:s13] =	ssyncadd.s32 $0xFFFFD000  }
0x9e: {  	_ =	swait.ge [sflag:s13], $0x3000  }
0x9f: {  	[sflag:s13] =	ssyncset.done $0x0  }
0xa0: {  	[sflag:s13] =	ssyncadd.s32 $0xFFFFD000  }
0xa1: {  	_ =	swait.ge [sflag:s6], $0x3000  }
0xa2: {  	[sflag:s6] =	ssyncset.done $0x0  }
0xa3: {  	[sflag:s6] =	ssyncadd.s32 $0xFFFFD000  }
0xa4: {  	_ =	swait.ge [sflag:s6], $0x3000  }
0xa5: {  	s0 =	rddreg [dreg:$0x1d];
	[sflag:s6] =	ssyncset.done $0x0  }
0xa6: {  	s1 =	rddreg [dreg:$0x1e];
	[sflag:s6] =	ssyncadd.s32 $0xFFFFD000  }
0xa7: {  	[hbm4b:s0+s4] =	stream.strided.scatter [tilespmem:s10], [sflag:$0x4], $0x3000, s5, s4, $0x38;
	[tilespmem:$0x1E400] =	vst v63  }
0xa8: {  	s0 =	rddreg [dreg:$0x1f]  }
0xa9: {  	[hbm4b:s1+s4] =	stream.strided.scatter [tilespmem:s11], [sflag:$0x4], $0x3000, s5, s4, $0x38;
	[tilespmem:$0x1E400] =	vst v63  }
0xaa: {  	s1 =	sld [smem:$0x7EE]  }
0xab: {  	[tilespmem:s24], [sflag:$0x2] =	stream.strided.gather [hbm4b:s0+s4], $0x3000, s5, s4, $0x38;
	[tilespmem:$0x1E400] =	vst v63  }
0xac: {  	_ = 	snop  }
0xad: {  	[tilespmem:s25], [sflag:$0x2] =	stream.strided.gather [hbm4b:s1+s4], $0x3000, s5, s4, $0x38;
	[tilespmem:$0x1E400] =	vst v63  }
0xae: {  	_ =	swait.ge [sflag:s19], $0x3000  }
0xaf: {  	[sflag:s19] =	ssyncset.done $0x0  }
0xb0: {  	[sflag:s19] =	ssyncadd.s32 $0xFFFFD000  }
0xb1: {  	_ =	swait.ge [sflag:s19], $0x3000  }
0xb2: {  	[sflag:s19] =	ssyncset.done $0x0  }
0xb3: {  	[sflag:s19] =	ssyncadd.s32 $0xFFFFD000  }
0xb4: {  	_ =	swait.ge [sflag:s9], $0x3000  }
0xb5: {  	[sflag:s9] =	ssyncset.done $0x0  }
0xb6: {  	[sflag:s9] =	ssyncadd.s32 $0xFFFFD000  }
0xb7: {  	_ =	swait.ge [sflag:s9], $0x3000  }
0xb8: {  	s0 =	sld [smem:$0x7EF]  }
0xb9: {  	[sflag:s9] =	ssyncset.done $0x0  }
0xba: {  	s1 =	sld [smem:$0x7F0];
	[sflag:s9] =	ssyncadd.s32 $0xFFFFD000  }
0xbb: {  	[hbm4b:s0+s4] =	stream.strided.scatter [tilespmem:s17], [sflag:$0x3], $0x3000, s5, s4, $0x38;
	[tilespmem:$0x1E400] =	vst v63  }
0xbc: {  	s0 =	sld [smem:$0x7F1]  }
0xbd: {  	[hbm4b:s1+s4] =	stream.strided.scatter [tilespmem:s18], [sflag:$0x3], $0x3000, s5, s4, $0x38;
	[tilespmem:$0x1E400] =	vst v63  }
0xbe: {  	s1 =	sld [smem:$0x7F2]  }
0xbf: {  	[tilespmem:s28], [sflag:$0x1] =	stream.strided.gather [hbm4b:s0+s4], $0x3000, s5, s4, $0x38;
	[tilespmem:$0x1E400] =	vst v63  }
0xc0: {  	_ = 	snop  }
0xc1: {  	[tilespmem:s29], [sflag:$0x1] =	stream.strided.gather [hbm4b:s1+s4], $0x3000, s5, s4, $0x38;
	[tilespmem:$0x1E400] =	vst v63  }
0xc2: {  	_ =	swait.ge [sflag:s13], $0x3000  }
0xc3: {  	[sflag:s13] =	ssyncset.done $0x0  }
0xc4: {  	[sflag:s13] =	ssyncadd.s32 $0xFFFFD000  }
0xc5: {  	_ =	swait.ge [sflag:s13], $0x3000  }
0xc6: {  	[sflag:s13] =	ssyncset.done $0x0  }
0xc7: {  	[sflag:s13] =	ssyncadd.s32 $0xFFFFD000  }
0xc8: {  	_ =	swait.ge [sflag:s6], $0x3000  }
0xc9: {  	[sflag:s6] =	ssyncset.done $0x0  }
0xca: {  	[sflag:s6] =	ssyncadd.s32 $0xFFFFD000  }
0xcb: {  	_ =	swait.ge [sflag:s6], $0x3000  }
0xcc: {  	s0 =	sld [smem:$0x7F3]  }
0xcd: {  	[sflag:s6] =	ssyncset.done $0x0  }
0xce: {  	s1 =	sld [smem:$0x7F4];
	[sflag:s6] =	ssyncadd.s32 $0xFFFFD000  }
0xcf: {  	[hbm4b:s0+s4] =	stream.strided.scatter [tilespmem:s10], [sflag:$0x4], $0x3000, s5, s4, $0x38;
	[tilespmem:$0x1E400] =	vst v63  }
0xd0: {  	s0 =	sld [smem:$0x7F5]  }
0xd1: {  	[hbm4b:s1+s4] =	stream.strided.scatter [tilespmem:s11], [sflag:$0x4], $0x3000, s5, s4, $0x38;
	[tilespmem:$0x1E400] =	vst v63  }
0xd2: {  	s1 =	sld [smem:$0x7F6]  }
0xd3: {  	[tilespmem:s24], [sflag:$0x2] =	stream.strided.gather [hbm4b:s0+s4], $0x3000, s5, s4, $0x38;
	[tilespmem:$0x1E400] =	vst v63  }
0xd4: {  	_ = 	snop  }
0xd5: {  	[tilespmem:s25], [sflag:$0x2] =	stream.strided.gather [hbm4b:s1+s4], $0x3000, s5, s4, $0x38;
	[tilespmem:$0x1E400] =	vst v63  }
0xd6: {  	_ =	swait.ge [sflag:s19], $0x3000  }
0xd7: {  	[sflag:s19] =	ssyncset.done $0x0  }
0xd8: {  	[sflag:s19] =	ssyncadd.s32 $0xFFFFD000  }
0xd9: {  	_ =	swait.ge [sflag:s19], $0x3000  }
0xda: {  	[sflag:s19] =	ssyncset.done $0x0  }
0xdb: {  	[sflag:s19] =	ssyncadd.s32 $0xFFFFD000  }
0xdc: {  	_ =	swait.ge [sflag:s9], $0x3000  }
0xdd: {  	[sflag:s9] =	ssyncset.done $0x0  }
0xde: {  	[sflag:s9] =	ssyncadd.s32 $0xFFFFD000  }
0xdf: {  	_ =	swait.ge [sflag:s9], $0x3000  }
0xe0: {  	s0 =	sld [smem:$0x7F7]  }
0xe1: {  	[sflag:s9] =	ssyncset.done $0x0  }
0xe2: {  	s1 =	sld [smem:$0x7F8];
	[sflag:s9] =	ssyncadd.s32 $0xFFFFD000  }
0xe3: {  	[hbm4b:s0+s4] =	stream.strided.scatter [tilespmem:s17], [sflag:$0x3], $0x3000, s5, s4, $0x38;
	[tilespmem:$0x1E400] =	vst v63  }
0xe4: {  	s0 =	sld [smem:$0x7F9]  }
0xe5: {  	[hbm4b:s1+s4] =	stream.strided.scatter [tilespmem:s18], [sflag:$0x3], $0x3000, s5, s4, $0x38;
	[tilespmem:$0x1E400] =	vst v63  }
0xe6: {  	s1 =	sld [smem:$0x7FA]  }
0xe7: {  	[tilespmem:s28], [sflag:$0x1] =	stream.strided.gather [hbm4b:s0+s4], $0x3000, s5, s4, $0x38;
	[tilespmem:$0x1E400] =	vst v63  }
0xe8: {  	_ = 	snop  }
0xe9: {  	[tilespmem:s29], [sflag:$0x1] =	stream.strided.gather [hbm4b:s1+s4], $0x3000, s5, s4, $0x38;
	[tilespmem:$0x1E400] =	vst v63  }
0xea: {  	_ =	swait.ge [sflag:s13], $0x3000  }
0xeb: {  	[sflag:s13] =	ssyncset.done $0x0  }
0xec: {  	[sflag:s13] =	ssyncadd.s32 $0xFFFFD000  }
0xed: {  	_ =	swait.ge [sflag:s13], $0x3000  }
0xee: {  	[sflag:s13] =	ssyncset.done $0x0  }
0xef: {  	[sflag:s13] =	ssyncadd.s32 $0xFFFFD000  }
0xf0: {  	_ =	swait.ge [sflag:s6], $0x3000  }
0xf1: {  	[sflag:s6] =	ssyncset.done $0x0  }
0xf2: {  	[sflag:s6] =	ssyncadd.s32 $0xFFFFD000  }
0xf3: {  	_ =	swait.ge [sflag:s6], $0x3000  }
0xf4: {  	s0 =	sld [smem:$0x7FB]  }
0xf5: {  	[sflag:s6] =	ssyncset.done $0x0  }
0xf6: {  	s1 =	sld [smem:$0x7FC];
	[sflag:s6] =	ssyncadd.s32 $0xFFFFD000  }
0xf7: {  	[hbm4b:s0+s4] =	stream.strided.scatter [tilespmem:s10], [sflag:$0x4], $0x3000, s5, s4, $0x38;
	[tilespmem:$0x1E400] =	vst v63  }
0xf8: {  	s0 =	sld [smem:$0x7FD]  }
0xf9: {  	[hbm4b:s1+s4] =	stream.strided.scatter [tilespmem:s11], [sflag:$0x4], $0x3000, s5, s4, $0x38;
	[tilespmem:$0x1E400] =	vst v63  }
0xfa: {  	_ = 	snop  }
0xfb: {  	[tilespmem:s24], [sflag:$0x2] =	stream.strided.gather [hbm4b:s0+s4], $0x3000, s5, s4, $0x38;
	[tilespmem:$0x1E400] =	vst v63  }
0xfc: {  	_ = 	snop  }
0xfd: {  	[tilespmem:s25], [sflag:$0x2] =	stream.strided.gather [hbm4b:s26+s4], $0x3000, s5, s4, $0x38;
	[tilespmem:$0x1E400] =	vst v63  }
0xfe: {  	_ =	swait.ge [sflag:s19], $0x3000  }
0xff: {  	[sflag:s19] =	ssyncset.done $0x0  }
0x100: {  	[sflag:s19] =	ssyncadd.s32 $0xFFFFD000  }
0x101: {  	_ =	swait.ge [sflag:s19], $0x3000  }
0x102: {  	[sflag:s19] =	ssyncset.done $0x0  }
0x103: {  	[sflag:s19] =	ssyncadd.s32 $0xFFFFD000  }
0x104: {  	_ =	swait.ge [sflag:s9], $0x3000  }
0x105: {  	[sflag:s9] =	ssyncset.done $0x0  }
0x106: {  	[sflag:s9] =	ssyncadd.s32 $0xFFFFD000  }
0x107: {  	_ =	swait.ge [sflag:s9], $0x3000  }
0x108: {  	[sflag:s9] =	ssyncset.done $0x0  }
0x109: {  	[sflag:s9] =	ssyncadd.s32 $0xFFFFD000  }
0x10a: {  	[hbm4b:s20+s4] =	stream.strided.scatter [tilespmem:s17], [sflag:$0x3], $0x3000, s5, s4, $0x38;
	[tilespmem:$0x1E400] =	vst v63  }
0x10b: {  	_ = 	snop  }
0x10c: {  	[hbm4b:s21+s4] =	stream.strided.scatter [tilespmem:s18], [sflag:$0x3], $0x3000, s5, s4, $0x38;
	[tilespmem:$0x1E400] =	vst v63  }
0x10d: {  	_ = 	snop  }
0x10e: {  	[tilespmem:s28], [sflag:$0x1] =	stream.strided.gather [hbm4b:s22+s4], $0x3000, s5, s4, $0x38;
	[tilespmem:$0x1E400] =	vst v63  }
0x10f: {  	_ = 	snop  }
0x110: {  	[tilespmem:s29], [sflag:$0x1] =	stream.strided.gather [hbm4b:s23+s4], $0x3000, s5, s4, $0x38;
	[tilespmem:$0x1E400] =	vst v63  }
0x111: {  	_ =	swait.ge [sflag:s13], $0x3000  }
0x112: {  	[sflag:s13] =	ssyncset.done $0x0  }
0x113: {  	[sflag:s13] =	ssyncadd.s32 $0xFFFFD000  }
0x114: {  	_ =	swait.ge [sflag:s13], $0x3000  }
0x115: {  	[sflag:s13] =	ssyncset.done $0x0  }
0x116: {  	[sflag:s13] =	ssyncadd.s32 $0xFFFFD000  }
0x117: {  	_ =	swait.ge [sflag:s6], $0x3000  }
0x118: {  	[sflag:s6] =	ssyncset.done $0x0  }
0x119: {  	[sflag:s6] =	ssyncadd.s32 $0xFFFFD000  }
0x11a: {  	_ =	swait.ge [sflag:s6], $0x3000  }
0x11b: {  	[sflag:s6] =	ssyncset.done $0x0  }
0x11c: {  	[sflag:s6] =	ssyncadd.s32 $0xFFFFD000  }
0x11d: {  	[hbm4b:s12+s4] =	stream.strided.scatter [tilespmem:s10], [sflag:$0x4], $0x3000, s5, s4, $0x38;
	[tilespmem:$0x1E400] =	vst v63  }
0x11e: {  	_ = 	snop  }
0x11f: {  	[hbm4b:s14+s4] =	stream.strided.scatter [tilespmem:s11], [sflag:$0x4], $0x3000, s5, s4, $0x38;
	[tilespmem:$0x1E400] =	vst v63  }
0x120: {  	_ = 	snop  }
0x121: {  	[tilespmem:s24], [sflag:$0x2] =	stream.strided.gather [hbm4b:s15+s4], $0x3000, s5, s4, $0x38;
	[tilespmem:$0x1E400] =	vst v63  }
0x122: {  	_ = 	snop  }
0x123: {  	[tilespmem:s25], [sflag:$0x2] =	stream.strided.gather [hbm4b:s16+s4], $0x3000, s5, s4, $0x38;
	[tilespmem:$0x1E400] =	vst v63  }
0x124: {  	_ =	swait.ge [sflag:s19], $0x3000  }
0x125: {  	[sflag:s19] =	ssyncset.done $0x0  }
0x126: {  	[sflag:s19] =	ssyncadd.s32 $0xFFFFD000  }
0x127: {  	_ =	swait.ge [sflag:s19], $0x3000  }
0x128: {  	[sflag:s19] =	ssyncset.done $0x0  }
0x129: {  	[sflag:s19] =	ssyncadd.s32 $0xFFFFD000  }
0x12a: {  	_ =	swait.ge [sflag:s9], $0x3000  }
0x12b: {  	[sflag:s9] =	ssyncset.done $0x0  }
0x12c: {  	[sflag:s9] =	ssyncadd.s32 $0xFFFFD000  }
0x12d: {  	_ =	swait.ge [sflag:s9], $0x3000  }
0x12e: {  	[sflag:s9] =	ssyncset.done $0x0  }
0x12f: {  	[sflag:s9] =	ssyncadd.s32 $0xFFFFD000  }
0x130: {  	[hbm4b:s7+s4] =	stream.strided.scatter [tilespmem:s17], [sflag:$0x3], $0x3000, s5, s4, $0x38;
	[tilespmem:$0x1E400] =	vst v63  }
0x131: {  	_ = 	snop  }
0x132: {  	[hbm4b:s8+s4] =	stream.strided.scatter [tilespmem:s18], [sflag:$0x3], $0x3000, s5, s4, $0x38;
	[tilespmem:$0x1E400] =	vst v63  }
0x133: {  	_ =	swait.ge [sflag:s13], $0x3000  }
0x134: {  	[sflag:s13] =	ssyncset.done $0x0  }
0x135: {  	[sflag:s13] =	ssyncadd.s32 $0xFFFFD000  }
0x136: {  	_ =	swait.ge [sflag:s13], $0x3000  }
0x137: {  	[sflag:s13] =	ssyncset.done $0x0  }
0x138: {  	[sflag:s13] =	ssyncadd.s32 $0xFFFFD000  }
0x139: {  	_ =	swait.ge [sflag:s6], $0x3000  }
0x13a: {  	[sflag:s6] =	ssyncset.done $0x0  }
0x13b: {  	[sflag:s6] =	ssyncadd.s32 $0xFFFFD000  }
0x13c: {  	_ =	swait.ge [sflag:s6], $0x3000  }
0x13d: {  	[sflag:s6] =	ssyncset.done $0x0  }
0x13e: {  	[sflag:s6] =	ssyncadd.s32 $0xFFFFD000  }
0x13f: {  	[hbm4b:s2+s4] =	stream.strided.scatter [tilespmem:s10], [sflag:$0x4], $0x3000, s5, s4, $0x38;
	[tilespmem:$0x1E400] =	vst v63  }
0x140: {  	_ = 	snop  }
0x141: {  	[hbm4b:s3+s4] =	stream.strided.scatter [tilespmem:s11], [sflag:$0x4], $0x3000, s5, s4, $0x38;
	[tilespmem:$0x1E400] =	vst v63  }
0x142: {  	_ =	swait.ge [sflag:s9], $0x3000  }
0x143: {  	[sflag:s9] =	ssyncset.done $0x0  }
0x144: {  	[sflag:s9] =	ssyncadd.s32 $0xFFFFD000  }
0x145: {  	_ =	swait.ge [sflag:s9], $0x3000  }
0x146: {  	[sflag:s9] =	ssyncset.done $0x0  }
0x147: {  	p1 =	sne.s32 s30, $0x1;
	[sflag:s9] =	ssyncadd.s32 $0xFFFFD000  }
.Ltmp1:
0x148: {  	_ =	swait.ge [sflag:s6], $0x3000;
	(pc) =	sbr.rel @!p1 .LBB2_3-.Ltmp1, $4  }
0x149: {  	[sflag:s6] =	ssyncset.done $0x0  }
0x14a: {  	[sflag:s6] =	ssyncadd.s32 $0xFFFFD000  }
0x14b: {  	p0 =	por $0x1, $0x1;
	_ =	swait.ge [sflag:s6], $0x3000  }
0x14c: {  	s1 =	sadd.s32 $0xFFFFFFFF, s30;
	s0 =	rddreg [dreg:$0x5];
	[sflag:s6] =	ssyncset.done $0x0  }
.LBB2_4:
0x14d: {  	[sflag:s6] =	ssyncadd.s32 $0xFFFFD000  }
0x14e: {  	[tilespmem:s28], [sflag:$0x1] =	stream.strided.gather [hbm4b:s0+s4], $0x3000, s5, s4, $0x38;
	[tilespmem:$0x1E400] =	vst v63  }
0x14f: {  	s30 =	rddreg [dreg:$0x6]  }
0x150: {  	[tilespmem:s29], [sflag:$0x1] =	stream.strided.gather [hbm4b:s30+s4], $0x3000, s5, s4, $0x38;
	[tilespmem:$0x1E400] =	vst v63  }
0x151: {  	s0 =	rddreg [dreg:$0x4];
	s30 =	simm.s32 $0x0  }
0x152: {  	[tilespmem:s30], [sflag:$0x5] =	stream.linear.gather [hbm4b:s0+s30], $0x6400, $0x38;
	[tilespmem:$0x1E400] =	vst v63  }
0x153: {  	_ =	swait.ge [sflag:s31], $0x6400  }
0x154: {  	[sflag:s31] =	ssyncset.done $0x0  }
0x155: {  	s0 =	rddreg [dreg:$0x7];
	[sflag:s31] =	ssyncadd.s32 $0xFFFF9C00  }
0x156: {  	[tilespmem:s24], [sflag:$0x2] =	stream.strided.gather [hbm4b:s0+s4], $0x3000, s5, s4, $0x38;
	[tilespmem:$0x1E400] =	vst v63  }
0x157: {  	s30 =	rddreg [dreg:$0x8]  }
0x158: {  	[tilespmem:s25], [sflag:$0x2] =	stream.strided.gather [hbm4b:s30+s4], $0x3000, s5, s4, $0x38;
	[tilespmem:$0x1E400] =	vst v63  }
0x159: {  	_ =	swait.ge [sflag:s19], $0x3000  }
0x15a: {  	[sflag:s19] =	ssyncset.done $0x0  }
0x15b: {  	[sflag:s19] =	ssyncadd.s32 $0xFFFFD000  }
0x15c: {  	_ =	swait.ge [sflag:s19], $0x3000  }
0x15d: {  	[sflag:s19] =	ssyncset.done $0x0  }
0x15e: {  	s0 =	rddreg [dreg:$0x9];
	[sflag:s19] =	ssyncadd.s32 $0xFFFFD000  }
0x15f: {  	[hbm4b:s0+s4] =	stream.strided.scatter [tilespmem:s17], [sflag:$0x3], $0x3000, s5, s4, $0x38;
	[tilespmem:$0x1E400] =	vst v63  }
0x160: {  	s30 =	rddreg [dreg:$0xa]  }
0x161: {  	[hbm4b:s30+s4] =	stream.strided.scatter [tilespmem:s18], [sflag:$0x3], $0x3000, s5, s4, $0x38;
	[tilespmem:$0x1E400] =	vst v63  }
0x162: {  	s0 =	rddreg [dreg:$0xb]  }
0x163: {  	[tilespmem:s28], [sflag:$0x1] =	stream.strided.gather [hbm4b:s0+s4], $0x3000, s5, s4, $0x38;
	[tilespmem:$0x1E400] =	vst v63  }
0x164: {  	s30 =	rddreg [dreg:$0xc]  }
0x165: {  	[tilespmem:s29], [sflag:$0x1] =	stream.strided.gather [hbm4b:s30+s4], $0x3000, s5, s4, $0x38;
	[tilespmem:$0x1E400] =	vst v63  }
0x166: {  	_ =	swait.ge [sflag:s13], $0x3000  }
0x167: {  	[sflag:s13] =	ssyncset.done $0x0  }
0x168: {  	[sflag:s13] =	ssyncadd.s32 $0xFFFFD000  }
0x169: {  	_ =	swait.ge [sflag:s13], $0x3000  }
0x16a: {  	[sflag:s13] =	ssyncset.done $0x0  }
0x16b: {  	s0 =	rddreg [dreg:$0xd];
	[sflag:s13] =	ssyncadd.s32 $0xFFFFD000  }
0x16c: {  	[hbm4b:s0+s4] =	stream.strided.scatter [tilespmem:s10], [sflag:$0x4], $0x3000, s5, s4, $0x38;
	[tilespmem:$0x1E400] =	vst v63  }
0x16d: {  	s30 =	rddreg [dreg:$0xe]  }
0x16e: {  	[hbm4b:s30+s4] =	stream.strided.scatter [tilespmem:s11], [sflag:$0x4], $0x3000, s5, s4, $0x38;
	[tilespmem:$0x1E400] =	vst v63  }
0x16f: {  	s0 =	rddreg [dreg:$0xf]  }
0x170: {  	[tilespmem:s24], [sflag:$0x2] =	stream.strided.gather [hbm4b:s0+s4], $0x3000, s5, s4, $0x38;
	[tilespmem:$0x1E400] =	vst v63  }
0x171: {  	s30 =	rddreg [dreg:$0x10]  }
0x172: {  	[tilespmem:s25], [sflag:$0x2] =	stream.strided.gather [hbm4b:s30+s4], $0x3000, s5, s4, $0x38;
	[tilespmem:$0x1E400] =	vst v63  }
0x173: {  	_ =	swait.ge [sflag:s19], $0x3000  }
0x174: {  	[sflag:s19] =	ssyncset.done $0x0  }
0x175: {  	[sflag:s19] =	ssyncadd.s32 $0xFFFFD000  }
0x176: {  	_ =	swait.ge [sflag:s19], $0x3000  }
0x177: {  	[sflag:s19] =	ssyncset.done $0x0  }
0x178: {  	[sflag:s19] =	ssyncadd.s32 $0xFFFFD000  }
0x179: {  	_ =	swait.ge [sflag:s9], $0x3000  }
0x17a: {  	[sflag:s9] =	ssyncset.done $0x0  }
0x17b: {  	[sflag:s9] =	ssyncadd.s32 $0xFFFFD000  }
0x17c: {  	_ =	swait.ge [sflag:s9], $0x3000  }
0x17d: {  	[sflag:s9] =	ssyncset.done $0x0  }
0x17e: {  	s0 =	rddreg [dreg:$0x11];
	[sflag:s9] =	ssyncadd.s32 $0xFFFFD000  }
0x17f: {  	[hbm4b:s0+s4] =	stream.strided.scatter [tilespmem:s17], [sflag:$0x3], $0x3000, s5, s4, $0x38;
	[tilespmem:$0x1E400] =	vst v63  }
0x180: {  	s30 =	rddreg [dreg:$0x12]  }
0x181: {  	[hbm4b:s30+s4] =	stream.strided.scatter [tilespmem:s18], [sflag:$0x3], $0x3000, s5, s4, $0x38;
	[tilespmem:$0x1E400] =	vst v63  }
0x182: {  	s0 =	rddreg [dreg:$0x13]  }
0x183: {  	[tilespmem:s28], [sflag:$0x1] =	stream.strided.gather [hbm4b:s0+s4], $0x3000, s5, s4, $0x38;
	[tilespmem:$0x1E400] =	vst v63  }
0x184: {  	s30 =	rddreg [dreg:$0x14]  }
0x185: {  	[tilespmem:s29], [sflag:$0x1] =	stream.strided.gather [hbm4b:s30+s4], $0x3000, s5, s4, $0x38;
	[tilespmem:$0x1E400] =	vst v63  }
0x186: {  	_ =	swait.ge [sflag:s13], $0x3000  }
0x187: {  	[sflag:s13] =	ssyncset.done $0x0  }
0x188: {  	[sflag:s13] =	ssyncadd.s32 $0xFFFFD000  }
0x189: {  	_ =	swait.ge [sflag:s13], $0x3000  }
0x18a: {  	[sflag:s13] =	ssyncset.done $0x0  }
0x18b: {  	[sflag:s13] =	ssyncadd.s32 $0xFFFFD000  }
0x18c: {  	_ =	swait.ge [sflag:s6], $0x3000  }
0x18d: {  	[sflag:s6] =	ssyncset.done $0x0  }
0x18e: {  	[sflag:s6] =	ssyncadd.s32 $0xFFFFD000  }
0x18f: {  	_ =	swait.ge [sflag:s6], $0x3000  }
0x190: {  	[sflag:s6] =	ssyncset.done $0x0  }
0x191: {  	s0 =	rddreg [dreg:$0x15];
	[sflag:s6] =	ssyncadd.s32 $0xFFFFD000  }
0x192: {  	[hbm4b:s0+s4] =	stream.strided.scatter [tilespmem:s10], [sflag:$0x4], $0x3000, s5, s4, $0x38;
	[tilespmem:$0x1E400] =	vst v63  }
0x193: {  	s30 =	rddreg [dreg:$0x16]  }
0x194: {  	[hbm4b:s30+s4] =	stream.strided.scatter [tilespmem:s11], [sflag:$0x4], $0x3000, s5, s4, $0x38;
	[tilespmem:$0x1E400] =	vst v63  }
0x195: {  	s0 =	rddreg [dreg:$0x17]  }
0x196: {  	[tilespmem:s24], [sflag:$0x2] =	stream.strided.gather [hbm4b:s0+s4], $0x3000, s5, s4, $0x38;
	[tilespmem:$0x1E400] =	vst v63  }
0x197: {  	s30 =	rddreg [dreg:$0x18]  }
0x198: {  	[tilespmem:s25], [sflag:$0x2] =	stream.strided.gather [hbm4b:s30+s4], $0x3000, s5, s4, $0x38;
	[tilespmem:$0x1E400] =	vst v63  }
0x199: {  	_ =	swait.ge [sflag:s19], $0x3000  }
0x19a: {  	[sflag:s19] =	ssyncset.done $0x0  }
0x19b: {  	[sflag:s19] =	ssyncadd.s32 $0xFFFFD000  }
0x19c: {  	_ =	swait.ge [sflag:s19], $0x3000  }
0x19d: {  	[sflag:s19] =	ssyncset.done $0x0  }
0x19e: {  	[sflag:s19] =	ssyncadd.s32 $0xFFFFD000  }
0x19f: {  	_ =	swait.ge [sflag:s9], $0x3000  }
0x1a0: {  	[sflag:s9] =	ssyncset.done $0x0  }
0x1a1: {  	[sflag:s9] =	ssyncadd.s32 $0xFFFFD000  }
0x1a2: {  	_ =	swait.ge [sflag:s9], $0x3000  }
0x1a3: {  	[sflag:s9] =	ssyncset.done $0x0  }
0x1a4: {  	s0 =	rddreg [dreg:$0x19];
	[sflag:s9] =	ssyncadd.s32 $0xFFFFD000  }
0x1a5: {  	[hbm4b:s0+s4] =	stream.strided.scatter [tilespmem:s17], [sflag:$0x3], $0x3000, s5, s4, $0x38;
	[tilespmem:$0x1E400] =	vst v63  }
0x1a6: {  	s30 =	rddreg [dreg:$0x1a]  }
0x1a7: {  	[hbm4b:s30+s4] =	stream.strided.scatter [tilespmem:s18], [sflag:$0x3], $0x3000, s5, s4, $0x38;
	[tilespmem:$0x1E400] =	vst v63  }
0x1a8: {  	s0 =	rddreg [dreg:$0x1b]  }
0x1a9: {  	[tilespmem:s28], [sflag:$0x1] =	stream.strided.gather [hbm4b:s0+s4], $0x3000, s5, s4, $0x38;
	[tilespmem:$0x1E400] =	vst v63  }
0x1aa: {  	s30 =	rddreg [dreg:$0x1c]  }
0x1ab: {  	[tilespmem:s29], [sflag:$0x1] =	stream.strided.gather [hbm4b:s30+s4], $0x3000, s5, s4, $0x38;
	[tilespmem:$0x1E400] =	vst v63  }
0x1ac: {  	_ =	swait.ge [sflag:s13], $0x3000  }
0x1ad: {  	[sflag:s13] =	ssyncset.done $0x0  }
0x1ae: {  	[sflag:s13] =	ssyncadd.s32 $0xFFFFD000  }
0x1af: {  	_ =	swait.ge [sflag:s13], $0x3000  }
0x1b0: {  	[sflag:s13] =	ssyncset.done $0x0  }
0x1b1: {  	[sflag:s13] =	ssyncadd.s32 $0xFFFFD000  }
0x1b2: {  	_ =	swait.ge [sflag:s6], $0x3000  }
0x1b3: {  	[sflag:s6] =	ssyncset.done $0x0  }
0x1b4: {  	[sflag:s6] =	ssyncadd.s32 $0xFFFFD000  }
0x1b5: {  	_ =	swait.ge [sflag:s6], $0x3000  }
0x1b6: {  	s0 =	rddreg [dreg:$0x1d];
	[sflag:s6] =	ssyncset.done $0x0  }
0x1b7: {  	s30 =	rddreg [dreg:$0x1e];
	[sflag:s6] =	ssyncadd.s32 $0xFFFFD000  }
0x1b8: {  	[hbm4b:s0+s4] =	stream.strided.scatter [tilespmem:s10], [sflag:$0x4], $0x3000, s5, s4, $0x38;
	[tilespmem:$0x1E400] =	vst v63  }
0x1b9: {  	s0 =	rddreg [dreg:$0x1f]  }
0x1ba: {  	[hbm4b:s30+s4] =	stream.strided.scatter [tilespmem:s11], [sflag:$0x4], $0x3000, s5, s4, $0x38;
	[tilespmem:$0x1E400] =	vst v63  }
0x1bb: {  	s30 =	sld [smem:$0x7EE]  }
0x1bc: {  	[tilespmem:s24], [sflag:$0x2] =	stream.strided.gather [hbm4b:s0+s4], $0x3000, s5, s4, $0x38;
	[tilespmem:$0x1E400] =	vst v63  }
0x1bd: {  	_ = 	snop  }
0x1be: {  	[tilespmem:s25], [sflag:$0x2] =	stream.strided.gather [hbm4b:s30+s4], $0x3000, s5, s4, $0x38;
	[tilespmem:$0x1E400] =	vst v63  }
0x1bf: {  	_ =	swait.ge [sflag:s19], $0x3000  }
0x1c0: {  	[sflag:s19] =	ssyncset.done $0x0  }
0x1c1: {  	[sflag:s19] =	ssyncadd.s32 $0xFFFFD000  }
0x1c2: {  	_ =	swait.ge [sflag:s19], $0x3000  }
0x1c3: {  	[sflag:s19] =	ssyncset.done $0x0  }
0x1c4: {  	[sflag:s19] =	ssyncadd.s32 $0xFFFFD000  }
0x1c5: {  	_ =	swait.ge [sflag:s9], $0x3000  }
0x1c6: {  	[sflag:s9] =	ssyncset.done $0x0  }
0x1c7: {  	[sflag:s9] =	ssyncadd.s32 $0xFFFFD000  }
0x1c8: {  	_ =	swait.ge [sflag:s9], $0x3000  }
0x1c9: {  	s0 =	sld [smem:$0x7EF]  }
0x1ca: {  	[sflag:s9] =	ssyncset.done $0x0  }
0x1cb: {  	s30 =	sld [smem:$0x7F0];
	[sflag:s9] =	ssyncadd.s32 $0xFFFFD000  }
0x1cc: {  	[hbm4b:s0+s4] =	stream.strided.scatter [tilespmem:s17], [sflag:$0x3], $0x3000, s5, s4, $0x38;
	[tilespmem:$0x1E400] =	vst v63  }
0x1cd: {  	s0 =	sld [smem:$0x7F1]  }
0x1ce: {  	[hbm4b:s30+s4] =	stream.strided.scatter [tilespmem:s18], [sflag:$0x3], $0x3000, s5, s4, $0x38;
	[tilespmem:$0x1E400] =	vst v63  }
0x1cf: {  	s30 =	sld [smem:$0x7F2]  }
0x1d0: {  	[tilespmem:s28], [sflag:$0x1] =	stream.strided.gather [hbm4b:s0+s4], $0x3000, s5, s4, $0x38;
	[tilespmem:$0x1E400] =	vst v63  }
0x1d1: {  	_ = 	snop  }
0x1d2: {  	[tilespmem:s29], [sflag:$0x1] =	stream.strided.gather [hbm4b:s30+s4], $0x3000, s5, s4, $0x38;
	[tilespmem:$0x1E400] =	vst v63  }
0x1d3: {  	_ =	swait.ge [sflag:s13], $0x3000  }
0x1d4: {  	[sflag:s13] =	ssyncset.done $0x0  }
0x1d5: {  	[sflag:s13] =	ssyncadd.s32 $0xFFFFD000  }
0x1d6: {  	_ =	swait.ge [sflag:s13], $0x3000  }
0x1d7: {  	[sflag:s13] =	ssyncset.done $0x0  }
0x1d8: {  	[sflag:s13] =	ssyncadd.s32 $0xFFFFD000  }
0x1d9: {  	_ =	swait.ge [sflag:s6], $0x3000  }
0x1da: {  	[sflag:s6] =	ssyncset.done $0x0  }
0x1db: {  	[sflag:s6] =	ssyncadd.s32 $0xFFFFD000  }
0x1dc: {  	_ =	swait.ge [sflag:s6], $0x3000  }
0x1dd: {  	s0 =	sld [smem:$0x7F3]  }
0x1de: {  	[sflag:s6] =	ssyncset.done $0x0  }
0x1df: {  	s30 =	sld [smem:$0x7F4];
	[sflag:s6] =	ssyncadd.s32 $0xFFFFD000  }
0x1e0: {  	[hbm4b:s0+s4] =	stream.strided.scatter [tilespmem:s10], [sflag:$0x4], $0x3000, s5, s4, $0x38;
	[tilespmem:$0x1E400] =	vst v63  }
0x1e1: {  	s0 =	sld [smem:$0x7F5]  }
0x1e2: {  	[hbm4b:s30+s4] =	stream.strided.scatter [tilespmem:s11], [sflag:$0x4], $0x3000, s5, s4, $0x38;
	[tilespmem:$0x1E400] =	vst v63  }
0x1e3: {  	s30 =	sld [smem:$0x7F6]  }
0x1e4: {  	[tilespmem:s24], [sflag:$0x2] =	stream.strided.gather [hbm4b:s0+s4], $0x3000, s5, s4, $0x38;
	[tilespmem:$0x1E400] =	vst v63  }
0x1e5: {  	_ = 	snop  }
0x1e6: {  	[tilespmem:s25], [sflag:$0x2] =	stream.strided.gather [hbm4b:s30+s4], $0x3000, s5, s4, $0x38;
	[tilespmem:$0x1E400] =	vst v63  }
0x1e7: {  	_ =	swait.ge [sflag:s19], $0x3000  }
0x1e8: {  	[sflag:s19] =	ssyncset.done $0x0  }
0x1e9: {  	[sflag:s19] =	ssyncadd.s32 $0xFFFFD000  }
0x1ea: {  	_ =	swait.ge [sflag:s19], $0x3000  }
0x1eb: {  	[sflag:s19] =	ssyncset.done $0x0  }
0x1ec: {  	[sflag:s19] =	ssyncadd.s32 $0xFFFFD000  }
0x1ed: {  	_ =	swait.ge [sflag:s9], $0x3000  }
0x1ee: {  	[sflag:s9] =	ssyncset.done $0x0  }
0x1ef: {  	[sflag:s9] =	ssyncadd.s32 $0xFFFFD000  }
0x1f0: {  	_ =	swait.ge [sflag:s9], $0x3000  }
0x1f1: {  	s0 =	sld [smem:$0x7F7]  }
0x1f2: {  	[sflag:s9] =	ssyncset.done $0x0  }
0x1f3: {  	s30 =	sld [smem:$0x7F8];
	[sflag:s9] =	ssyncadd.s32 $0xFFFFD000  }
0x1f4: {  	[hbm4b:s0+s4] =	stream.strided.scatter [tilespmem:s17], [sflag:$0x3], $0x3000, s5, s4, $0x38;
	[tilespmem:$0x1E400] =	vst v63  }
0x1f5: {  	s0 =	sld [smem:$0x7F9]  }
0x1f6: {  	[hbm4b:s30+s4] =	stream.strided.scatter [tilespmem:s18], [sflag:$0x3], $0x3000, s5, s4, $0x38;
	[tilespmem:$0x1E400] =	vst v63  }
0x1f7: {  	s30 =	sld [smem:$0x7FA]  }
0x1f8: {  	[tilespmem:s28], [sflag:$0x1] =	stream.strided.gather [hbm4b:s0+s4], $0x3000, s5, s4, $0x38;
	[tilespmem:$0x1E400] =	vst v63  }
0x1f9: {  	_ = 	snop  }
0x1fa: {  	[tilespmem:s29], [sflag:$0x1] =	stream.strided.gather [hbm4b:s30+s4], $0x3000, s5, s4, $0x38;
	[tilespmem:$0x1E400] =	vst v63  }
0x1fb: {  	_ =	swait.ge [sflag:s13], $0x3000  }
0x1fc: {  	[sflag:s13] =	ssyncset.done $0x0  }
0x1fd: {  	[sflag:s13] =	ssyncadd.s32 $0xFFFFD000  }
0x1fe: {  	_ =	swait.ge [sflag:s13], $0x3000  }
0x1ff: {  	[sflag:s13] =	ssyncset.done $0x0  }
0x200: {  	[sflag:s13] =	ssyncadd.s32 $0xFFFFD000  }
0x201: {  	_ =	swait.ge [sflag:s6], $0x3000  }
0x202: {  	[sflag:s6] =	ssyncset.done $0x0  }
0x203: {  	[sflag:s6] =	ssyncadd.s32 $0xFFFFD000  }
0x204: {  	_ =	swait.ge [sflag:s6], $0x3000  }
0x205: {  	s0 =	sld [smem:$0x7FB]  }
0x206: {  	[sflag:s6] =	ssyncset.done $0x0  }
0x207: {  	s30 =	sld [smem:$0x7FC];
	[sflag:s6] =	ssyncadd.s32 $0xFFFFD000  }
0x208: {  	[hbm4b:s0+s4] =	stream.strided.scatter [tilespmem:s10], [sflag:$0x4], $0x3000, s5, s4, $0x38;
	[tilespmem:$0x1E400] =	vst v63  }
0x209: {  	s0 =	sld [smem:$0x7FD]  }
0x20a: {  	[hbm4b:s30+s4] =	stream.strided.scatter [tilespmem:s11], [sflag:$0x4], $0x3000, s5, s4, $0x38;
	[tilespmem:$0x1E400] =	vst v63  }
0x20b: {  	_ = 	snop  }
0x20c: {  	[tilespmem:s24], [sflag:$0x2] =	stream.strided.gather [hbm4b:s0+s4], $0x3000, s5, s4, $0x38;
	[tilespmem:$0x1E400] =	vst v63  }
0x20d: {  	_ = 	snop  }
0x20e: {  	[tilespmem:s25], [sflag:$0x2] =	stream.strided.gather [hbm4b:s26+s4], $0x3000, s5, s4, $0x38;
	[tilespmem:$0x1E400] =	vst v63  }
0x20f: {  	_ =	swait.ge [sflag:s19], $0x3000  }
0x210: {  	[sflag:s19] =	ssyncset.done $0x0  }
0x211: {  	[sflag:s19] =	ssyncadd.s32 $0xFFFFD000  }
0x212: {  	_ =	swait.ge [sflag:s19], $0x3000  }
0x213: {  	[sflag:s19] =	ssyncset.done $0x0  }
0x214: {  	[sflag:s19] =	ssyncadd.s32 $0xFFFFD000  }
0x215: {  	_ =	swait.ge [sflag:s9], $0x3000  }
0x216: {  	[sflag:s9] =	ssyncset.done $0x0  }
0x217: {  	[sflag:s9] =	ssyncadd.s32 $0xFFFFD000  }
0x218: {  	_ =	swait.ge [sflag:s9], $0x3000  }
0x219: {  	[sflag:s9] =	ssyncset.done $0x0  }
0x21a: {  	[sflag:s9] =	ssyncadd.s32 $0xFFFFD000  }
0x21b: {  	[hbm4b:s20+s4] =	stream.strided.scatter [tilespmem:s17], [sflag:$0x3], $0x3000, s5, s4, $0x38;
	[tilespmem:$0x1E400] =	vst v63  }
0x21c: {  	_ = 	snop  }
0x21d: {  	[hbm4b:s21+s4] =	stream.strided.scatter [tilespmem:s18], [sflag:$0x3], $0x3000, s5, s4, $0x38;
	[tilespmem:$0x1E400] =	vst v63  }
0x21e: {  	_ = 	snop  }
0x21f: {  	[tilespmem:s28], [sflag:$0x1] =	stream.strided.gather [hbm4b:s22+s4], $0x3000, s5, s4, $0x38;
	[tilespmem:$0x1E400] =	vst v63  }
0x220: {  	_ = 	snop  }
0x221: {  	[tilespmem:s29], [sflag:$0x1] =	stream.strided.gather [hbm4b:s23+s4], $0x3000, s5, s4, $0x38;
	[tilespmem:$0x1E400] =	vst v63  }
0x222: {  	_ =	swait.ge [sflag:s13], $0x3000  }
0x223: {  	[sflag:s13] =	ssyncset.done $0x0  }
0x224: {  	[sflag:s13] =	ssyncadd.s32 $0xFFFFD000  }
0x225: {  	_ =	swait.ge [sflag:s13], $0x3000  }
0x226: {  	[sflag:s13] =	ssyncset.done $0x0  }
0x227: {  	[sflag:s13] =	ssyncadd.s32 $0xFFFFD000  }
0x228: {  	_ =	swait.ge [sflag:s6], $0x3000  }
0x229: {  	[sflag:s6] =	ssyncset.done $0x0  }
0x22a: {  	[sflag:s6] =	ssyncadd.s32 $0xFFFFD000  }
0x22b: {  	_ =	swait.ge [sflag:s6], $0x3000  }
0x22c: {  	[sflag:s6] =	ssyncset.done $0x0  }
0x22d: {  	[sflag:s6] =	ssyncadd.s32 $0xFFFFD000  }
0x22e: {  	[hbm4b:s12+s4] =	stream.strided.scatter [tilespmem:s10], [sflag:$0x4], $0x3000, s5, s4, $0x38;
	[tilespmem:$0x1E400] =	vst v63  }
0x22f: {  	_ = 	snop  }
0x230: {  	[hbm4b:s14+s4] =	stream.strided.scatter [tilespmem:s11], [sflag:$0x4], $0x3000, s5, s4, $0x38;
	[tilespmem:$0x1E400] =	vst v63  }
0x231: {  	_ = 	snop  }
0x232: {  	[tilespmem:s24], [sflag:$0x2] =	stream.strided.gather [hbm4b:s15+s4], $0x3000, s5, s4, $0x38;
	[tilespmem:$0x1E400] =	vst v63  }
0x233: {  	_ = 	snop  }
0x234: {  	[tilespmem:s25], [sflag:$0x2] =	stream.strided.gather [hbm4b:s16+s4], $0x3000, s5, s4, $0x38;
	[tilespmem:$0x1E400] =	vst v63  }
0x235: {  	_ =	swait.ge [sflag:s19], $0x3000  }
0x236: {  	[sflag:s19] =	ssyncset.done $0x0  }
0x237: {  	[sflag:s19] =	ssyncadd.s32 $0xFFFFD000  }
0x238: {  	_ =	swait.ge [sflag:s19], $0x3000  }
0x239: {  	[sflag:s19] =	ssyncset.done $0x0  }
0x23a: {  	[sflag:s19] =	ssyncadd.s32 $0xFFFFD000  }
0x23b: {  	_ =	swait.ge [sflag:s9], $0x3000  }
0x23c: {  	[sflag:s9] =	ssyncset.done $0x0  }
0x23d: {  	[sflag:s9] =	ssyncadd.s32 $0xFFFFD000  }
0x23e: {  	_ =	swait.ge [sflag:s9], $0x3000  }
0x23f: {  	[sflag:s9] =	ssyncset.done $0x0  }
0x240: {  	[sflag:s9] =	ssyncadd.s32 $0xFFFFD000  }
0x241: {  	[hbm4b:s7+s4] =	stream.strided.scatter [tilespmem:s17], [sflag:$0x3], $0x3000, s5, s4, $0x38;
	[tilespmem:$0x1E400] =	vst v63  }
0x242: {  	_ = 	snop  }
0x243: {  	[hbm4b:s8+s4] =	stream.strided.scatter [tilespmem:s18], [sflag:$0x3], $0x3000, s5, s4, $0x38;
	[tilespmem:$0x1E400] =	vst v63  }
0x244: {  	_ =	swait.ge [sflag:s13], $0x3000  }
0x245: {  	[sflag:s13] =	ssyncset.done $0x0  }
0x246: {  	[sflag:s13] =	ssyncadd.s32 $0xFFFFD000  }
0x247: {  	_ =	swait.ge [sflag:s13], $0x3000  }
0x248: {  	[sflag:s13] =	ssyncset.done $0x0  }
0x249: {  	[sflag:s13] =	ssyncadd.s32 $0xFFFFD000  }
0x24a: {  	_ =	swait.ge [sflag:s6], $0x3000  }
0x24b: {  	[sflag:s6] =	ssyncset.done $0x0  }
0x24c: {  	[sflag:s6] =	ssyncadd.s32 $0xFFFFD000  }
0x24d: {  	_ =	swait.ge [sflag:s6], $0x3000  }
0x24e: {  	[sflag:s6] =	ssyncset.done $0x0  }
0x24f: {  	[sflag:s6] =	ssyncadd.s32 $0xFFFFD000  }
0x250: {  	[hbm4b:s2+s4] =	stream.strided.scatter [tilespmem:s10], [sflag:$0x4], $0x3000, s5, s4, $0x38;
	[tilespmem:$0x1E400] =	vst v63  }
0x251: {  	_ = 	snop  }
0x252: {  	[hbm4b:s3+s4] =	stream.strided.scatter [tilespmem:s11], [sflag:$0x4], $0x3000, s5, s4, $0x38;
	[tilespmem:$0x1E400] =	vst v63  }
0x253: {  	_ =	swait.ge [sflag:s9], $0x3000  }
0x254: {  	[sflag:s9] =	ssyncset.done $0x0  }
0x255: {  	[sflag:s9] =	ssyncadd.s32 $0xFFFFD000  }
0x256: {  	_ =	swait.ge [sflag:s9], $0x3000  }
0x257: {  	[sflag:s9] =	ssyncset.done $0x0  }
0x258: {  	p1 =	sne.s32 s1, $0x1;
	[sflag:s9] =	ssyncadd.s32 $0xFFFFD000  }
.Ltmp2:
0x259: {  	_ =	swait.ge [sflag:s6], $0x3000;
	(pc) =	sbr.rel @p1 .LBB2_4-.Ltmp2, $4  }
0x25a: {  	[sflag:s6] =	ssyncset.done $0x0  }
0x25b: {  	[sflag:s6] =	ssyncadd.s32 $0xFFFFD000  }
0x25c: {  	_ =	swait.ge [sflag:s6], $0x3000  }
0x25d: {  	s1 =	sadd.s32 $0xFFFFFFFF, s1;
	s0 =	rddreg [dreg:$0x5];
	[sflag:s6] =	ssyncset.done $0x0  }
0x25e: {  	s30 =	simm.s32 $0x0  }
.LBB2_6:
0x25f: {  	[sflag:s6] =	ssyncadd.s32 @p0 $0xFFFFD000  }
0x260: {  	[tilespmem:s28], [sflag:$0x1] =	stream.strided.gather [hbm4b:s0+s4], $0x3000, s5, s4, $0x38;
	[tilespmem:$0x1E400] =	vst v63  }
0x261: {  	s1 =	rddreg [dreg:$0x6]  }
0x262: {  	[tilespmem:s29], [sflag:$0x1] =	stream.strided.gather [hbm4b:s1+s4], $0x3000, s5, s4, $0x38;
	[tilespmem:$0x1E400] =	vst v63  }
0x263: {  	s0 =	rddreg [dreg:$0x4]  }
0x264: {  	[tilespmem:s30], [sflag:$0x5] =	stream.linear.gather [hbm4b:s0+s30], $0x6400, $0x38;
	[tilespmem:$0x1E400] =	vst v63  }
0x265: {  	_ =	swait.ge [sflag:s31], $0x6400  }
0x266: {  	[sflag:s31] =	ssyncset.done $0x0  }
0x267: {  	s30 =	rddreg [dreg:$0x7];
	[sflag:s31] =	ssyncadd.s32 $0xFFFF9C00  }
0x268: {  	[tilespmem:s24], [sflag:$0x2] =	stream.strided.gather [hbm4b:s30+s4], $0x3000, s5, s4, $0x38;
	[tilespmem:$0x1E400] =	vst v63  }
0x269: {  	s31 =	rddreg [dreg:$0x8]  }
0x26a: {  	[tilespmem:s25], [sflag:$0x2] =	stream.strided.gather [hbm4b:s31+s4], $0x3000, s5, s4, $0x38;
	[tilespmem:$0x1E400] =	vst v63  }
0x26b: {  	_ =	swait.ge [sflag:s19], $0x3000  }
0x26c: {  	[sflag:s19] =	ssyncset.done $0x0  }
0x26d: {  	[sflag:s19] =	ssyncadd.s32 $0xFFFFD000  }
0x26e: {  	_ =	swait.ge [sflag:s19], $0x3000  }
0x26f: {  	[sflag:s19] =	ssyncset.done $0x0  }
0x270: {  	s30 =	rddreg [dreg:$0x9];
	[sflag:s19] =	ssyncadd.s32 $0xFFFFD000  }
0x271: {  	[hbm4b:s30+s4] =	stream.strided.scatter [tilespmem:s17], [sflag:$0x3], $0x3000, s5, s4, $0x38;
	[tilespmem:$0x1E400] =	vst v63  }
0x272: {  	s31 =	rddreg [dreg:$0xa]  }
0x273: {  	[hbm4b:s31+s4] =	stream.strided.scatter [tilespmem:s18], [sflag:$0x3], $0x3000, s5, s4, $0x38;
	[tilespmem:$0x1E400] =	vst v63  }
0x274: {  	s30 =	rddreg [dreg:$0xb]  }
0x275: {  	[tilespmem:s28], [sflag:$0x1] =	stream.strided.gather [hbm4b:s30+s4], $0x3000, s5, s4, $0x38;
	[tilespmem:$0x1E400] =	vst v63  }
0x276: {  	s31 =	rddreg [dreg:$0xc]  }
0x277: {  	[tilespmem:s29], [sflag:$0x1] =	stream.strided.gather [hbm4b:s31+s4], $0x3000, s5, s4, $0x38;
	[tilespmem:$0x1E400] =	vst v63  }
0x278: {  	_ =	swait.ge [sflag:s13], $0x3000  }
0x279: {  	[sflag:s13] =	ssyncset.done $0x0  }
0x27a: {  	[sflag:s13] =	ssyncadd.s32 $0xFFFFD000  }
0x27b: {  	_ =	swait.ge [sflag:s13], $0x3000  }
0x27c: {  	[sflag:s13] =	ssyncset.done $0x0  }
0x27d: {  	s30 =	rddreg [dreg:$0xd];
	[sflag:s13] =	ssyncadd.s32 $0xFFFFD000  }
0x27e: {  	[hbm4b:s30+s4] =	stream.strided.scatter [tilespmem:s10], [sflag:$0x4], $0x3000, s5, s4, $0x38;
	[tilespmem:$0x1E400] =	vst v63  }
0x27f: {  	s31 =	rddreg [dreg:$0xe]  }
0x280: {  	[hbm4b:s31+s4] =	stream.strided.scatter [tilespmem:s11], [sflag:$0x4], $0x3000, s5, s4, $0x38;
	[tilespmem:$0x1E400] =	vst v63  }
0x281: {  	s30 =	rddreg [dreg:$0xf]  }
0x282: {  	[tilespmem:s24], [sflag:$0x2] =	stream.strided.gather [hbm4b:s30+s4], $0x3000, s5, s4, $0x38;
	[tilespmem:$0x1E400] =	vst v63  }
0x283: {  	s31 =	rddreg [dreg:$0x10]  }
0x284: {  	[tilespmem:s25], [sflag:$0x2] =	stream.strided.gather [hbm4b:s31+s4], $0x3000, s5, s4, $0x38;
	[tilespmem:$0x1E400] =	vst v63  }
0x285: {  	_ =	swait.ge [sflag:s19], $0x3000  }
0x286: {  	[sflag:s19] =	ssyncset.done $0x0  }
0x287: {  	[sflag:s19] =	ssyncadd.s32 $0xFFFFD000  }
0x288: {  	_ =	swait.ge [sflag:s19], $0x3000  }
0x289: {  	[sflag:s19] =	ssyncset.done $0x0  }
0x28a: {  	[sflag:s19] =	ssyncadd.s32 $0xFFFFD000  }
0x28b: {  	_ =	swait.ge [sflag:s9], $0x3000  }
0x28c: {  	[sflag:s9] =	ssyncset.done $0x0  }
0x28d: {  	[sflag:s9] =	ssyncadd.s32 $0xFFFFD000  }
0x28e: {  	_ =	swait.ge [sflag:s9], $0x3000  }
0x28f: {  	[sflag:s9] =	ssyncset.done $0x0  }
0x290: {  	s30 =	rddreg [dreg:$0x11];
	[sflag:s9] =	ssyncadd.s32 $0xFFFFD000  }
0x291: {  	[hbm4b:s30+s4] =	stream.strided.scatter [tilespmem:s17], [sflag:$0x3], $0x3000, s5, s4, $0x38;
	[tilespmem:$0x1E400] =	vst v63  }
0x292: {  	s31 =	rddreg [dreg:$0x12]  }
0x293: {  	[hbm4b:s31+s4] =	stream.strided.scatter [tilespmem:s18], [sflag:$0x3], $0x3000, s5, s4, $0x38;
	[tilespmem:$0x1E400] =	vst v63  }
0x294: {  	s30 =	rddreg [dreg:$0x13]  }
0x295: {  	[tilespmem:s28], [sflag:$0x1] =	stream.strided.gather [hbm4b:s30+s4], $0x3000, s5, s4, $0x38;
	[tilespmem:$0x1E400] =	vst v63  }
0x296: {  	s31 =	rddreg [dreg:$0x14]  }
0x297: {  	[tilespmem:s29], [sflag:$0x1] =	stream.strided.gather [hbm4b:s31+s4], $0x3000, s5, s4, $0x38;
	[tilespmem:$0x1E400] =	vst v63  }
0x298: {  	_ =	swait.ge [sflag:s13], $0x3000  }
0x299: {  	[sflag:s13] =	ssyncset.done $0x0  }
0x29a: {  	[sflag:s13] =	ssyncadd.s32 $0xFFFFD000  }
0x29b: {  	_ =	swait.ge [sflag:s13], $0x3000  }
0x29c: {  	[sflag:s13] =	ssyncset.done $0x0  }
0x29d: {  	[sflag:s13] =	ssyncadd.s32 $0xFFFFD000  }
0x29e: {  	_ =	swait.ge [sflag:s6], $0x3000  }
0x29f: {  	[sflag:s6] =	ssyncset.done $0x0  }
0x2a0: {  	[sflag:s6] =	ssyncadd.s32 $0xFFFFD000  }
0x2a1: {  	_ =	swait.ge [sflag:s6], $0x3000  }
0x2a2: {  	[sflag:s6] =	ssyncset.done $0x0  }
0x2a3: {  	s30 =	rddreg [dreg:$0x15];
	[sflag:s6] =	ssyncadd.s32 $0xFFFFD000  }
0x2a4: {  	[hbm4b:s30+s4] =	stream.strided.scatter [tilespmem:s10], [sflag:$0x4], $0x3000, s5, s4, $0x38;
	[tilespmem:$0x1E400] =	vst v63  }
0x2a5: {  	s31 =	rddreg [dreg:$0x16]  }
0x2a6: {  	[hbm4b:s31+s4] =	stream.strided.scatter [tilespmem:s11], [sflag:$0x4], $0x3000, s5, s4, $0x38;
	[tilespmem:$0x1E400] =	vst v63  }
0x2a7: {  	s30 =	rddreg [dreg:$0x17]  }
0x2a8: {  	[tilespmem:s24], [sflag:$0x2] =	stream.strided.gather [hbm4b:s30+s4], $0x3000, s5, s4, $0x38;
	[tilespmem:$0x1E400] =	vst v63  }
0x2a9: {  	s31 =	rddreg [dreg:$0x18]  }
0x2aa: {  	[tilespmem:s25], [sflag:$0x2] =	stream.strided.gather [hbm4b:s31+s4], $0x3000, s5, s4, $0x38;
	[tilespmem:$0x1E400] =	vst v63  }
0x2ab: {  	_ =	swait.ge [sflag:s19], $0x3000  }
0x2ac: {  	[sflag:s19] =	ssyncset.done $0x0  }
0x2ad: {  	[sflag:s19] =	ssyncadd.s32 $0xFFFFD000  }
0x2ae: {  	_ =	swait.ge [sflag:s19], $0x3000  }
0x2af: {  	[sflag:s19] =	ssyncset.done $0x0  }
0x2b0: {  	[sflag:s19] =	ssyncadd.s32 $0xFFFFD000  }
0x2b1: {  	_ =	swait.ge [sflag:s9], $0x3000  }
0x2b2: {  	[sflag:s9] =	ssyncset.done $0x0  }
0x2b3: {  	[sflag:s9] =	ssyncadd.s32 $0xFFFFD000  }
0x2b4: {  	_ =	swait.ge [sflag:s9], $0x3000  }
0x2b5: {  	[sflag:s9] =	ssyncset.done $0x0  }
0x2b6: {  	s30 =	rddreg [dreg:$0x19];
	[sflag:s9] =	ssyncadd.s32 $0xFFFFD000  }
0x2b7: {  	[hbm4b:s30+s4] =	stream.strided.scatter [tilespmem:s17], [sflag:$0x3], $0x3000, s5, s4, $0x38;
	[tilespmem:$0x1E400] =	vst v63  }
0x2b8: {  	s31 =	rddreg [dreg:$0x1a]  }
0x2b9: {  	[hbm4b:s31+s4] =	stream.strided.scatter [tilespmem:s18], [sflag:$0x3], $0x3000, s5, s4, $0x38;
	[tilespmem:$0x1E400] =	vst v63  }
0x2ba: {  	s30 =	rddreg [dreg:$0x1b]  }
0x2bb: {  	[tilespmem:s28], [sflag:$0x1] =	stream.strided.gather [hbm4b:s30+s4], $0x3000, s5, s4, $0x38;
	[tilespmem:$0x1E400] =	vst v63  }
0x2bc: {  	s31 =	rddreg [dreg:$0x1c]  }
0x2bd: {  	[tilespmem:s29], [sflag:$0x1] =	stream.strided.gather [hbm4b:s31+s4], $0x3000, s5, s4, $0x38;
	[tilespmem:$0x1E400] =	vst v63  }
0x2be: {  	_ =	swait.ge [sflag:s13], $0x3000  }
0x2bf: {  	[sflag:s13] =	ssyncset.done $0x0  }
0x2c0: {  	[sflag:s13] =	ssyncadd.s32 $0xFFFFD000  }
0x2c1: {  	_ =	swait.ge [sflag:s13], $0x3000  }
0x2c2: {  	[sflag:s13] =	ssyncset.done $0x0  }
0x2c3: {  	[sflag:s13] =	ssyncadd.s32 $0xFFFFD000  }
0x2c4: {  	_ =	swait.ge [sflag:s6], $0x3000  }
0x2c5: {  	[sflag:s6] =	ssyncset.done $0x0  }
0x2c6: {  	[sflag:s6] =	ssyncadd.s32 $0xFFFFD000  }
0x2c7: {  	_ =	swait.ge [sflag:s6], $0x3000  }
0x2c8: {  	s30 =	rddreg [dreg:$0x1d];
	[sflag:s6] =	ssyncset.done $0x0  }
0x2c9: {  	s31 =	rddreg [dreg:$0x1e];
	[sflag:s6] =	ssyncadd.s32 $0xFFFFD000  }
0x2ca: {  	[hbm4b:s30+s4] =	stream.strided.scatter [tilespmem:s10], [sflag:$0x4], $0x3000, s5, s4, $0x38;
	[tilespmem:$0x1E400] =	vst v63  }
0x2cb: {  	s30 =	rddreg [dreg:$0x1f]  }
0x2cc: {  	[hbm4b:s31+s4] =	stream.strided.scatter [tilespmem:s11], [sflag:$0x4], $0x3000, s5, s4, $0x38;
	[tilespmem:$0x1E400] =	vst v63  }
0x2cd: {  	s31 =	sld [smem:$0x7EE]  }
0x2ce: {  	[tilespmem:s24], [sflag:$0x2] =	stream.strided.gather [hbm4b:s30+s4], $0x3000, s5, s4, $0x38;
	[tilespmem:$0x1E400] =	vst v63  }
0x2cf: {  	_ = 	snop  }
0x2d0: {  	[tilespmem:s25], [sflag:$0x2] =	stream.strided.gather [hbm4b:s31+s4], $0x3000, s5, s4, $0x38;
	[tilespmem:$0x1E400] =	vst v63  }
0x2d1: {  	_ =	swait.ge [sflag:s19], $0x3000  }
0x2d2: {  	[sflag:s19] =	ssyncset.done $0x0  }
0x2d3: {  	[sflag:s19] =	ssyncadd.s32 $0xFFFFD000  }
0x2d4: {  	_ =	swait.ge [sflag:s19], $0x3000  }
0x2d5: {  	[sflag:s19] =	ssyncset.done $0x0  }
0x2d6: {  	[sflag:s19] =	ssyncadd.s32 $0xFFFFD000  }
0x2d7: {  	_ =	swait.ge [sflag:s9], $0x3000  }
0x2d8: {  	[sflag:s9] =	ssyncset.done $0x0  }
0x2d9: {  	[sflag:s9] =	ssyncadd.s32 $0xFFFFD000  }
0x2da: {  	_ =	swait.ge [sflag:s9], $0x3000  }
0x2db: {  	s30 =	sld [smem:$0x7EF]  }
0x2dc: {  	[sflag:s9] =	ssyncset.done $0x0  }
0x2dd: {  	s31 =	sld [smem:$0x7F0];
	[sflag:s9] =	ssyncadd.s32 $0xFFFFD000  }
0x2de: {  	[hbm4b:s30+s4] =	stream.strided.scatter [tilespmem:s17], [sflag:$0x3], $0x3000, s5, s4, $0x38;
	[tilespmem:$0x1E400] =	vst v63  }
0x2df: {  	s30 =	sld [smem:$0x7F1]  }
0x2e0: {  	[hbm4b:s31+s4] =	stream.strided.scatter [tilespmem:s18], [sflag:$0x3], $0x3000, s5, s4, $0x38;
	[tilespmem:$0x1E400] =	vst v63  }
0x2e1: {  	s31 =	sld [smem:$0x7F2]  }
0x2e2: {  	[tilespmem:s28], [sflag:$0x1] =	stream.strided.gather [hbm4b:s30+s4], $0x3000, s5, s4, $0x38;
	[tilespmem:$0x1E400] =	vst v63  }
0x2e3: {  	_ = 	snop  }
0x2e4: {  	[tilespmem:s29], [sflag:$0x1] =	stream.strided.gather [hbm4b:s31+s4], $0x3000, s5, s4, $0x38;
	[tilespmem:$0x1E400] =	vst v63  }
0x2e5: {  	_ =	swait.ge [sflag:s13], $0x3000  }
0x2e6: {  	[sflag:s13] =	ssyncset.done $0x0  }
0x2e7: {  	[sflag:s13] =	ssyncadd.s32 $0xFFFFD000  }
0x2e8: {  	_ =	swait.ge [sflag:s13], $0x3000  }
0x2e9: {  	[sflag:s13] =	ssyncset.done $0x0  }
0x2ea: {  	[sflag:s13] =	ssyncadd.s32 $0xFFFFD000  }
0x2eb: {  	_ =	swait.ge [sflag:s6], $0x3000  }
0x2ec: {  	[sflag:s6] =	ssyncset.done $0x0  }
0x2ed: {  	[sflag:s6] =	ssyncadd.s32 $0xFFFFD000  }
0x2ee: {  	_ =	swait.ge [sflag:s6], $0x3000  }
0x2ef: {  	s30 =	sld [smem:$0x7F3]  }
0x2f0: {  	[sflag:s6] =	ssyncset.done $0x0  }
0x2f1: {  	s31 =	sld [smem:$0x7F4];
	[sflag:s6] =	ssyncadd.s32 $0xFFFFD000  }
0x2f2: {  	[hbm4b:s30+s4] =	stream.strided.scatter [tilespmem:s10], [sflag:$0x4], $0x3000, s5, s4, $0x38;
	[tilespmem:$0x1E400] =	vst v63  }
0x2f3: {  	s30 =	sld [smem:$0x7F5]  }
0x2f4: {  	[hbm4b:s31+s4] =	stream.strided.scatter [tilespmem:s11], [sflag:$0x4], $0x3000, s5, s4, $0x38;
	[tilespmem:$0x1E400] =	vst v63  }
0x2f5: {  	s31 =	sld [smem:$0x7F6]  }
0x2f6: {  	[tilespmem:s24], [sflag:$0x2] =	stream.strided.gather [hbm4b:s30+s4], $0x3000, s5, s4, $0x38;
	[tilespmem:$0x1E400] =	vst v63  }
0x2f7: {  	_ = 	snop  }
0x2f8: {  	[tilespmem:s25], [sflag:$0x2] =	stream.strided.gather [hbm4b:s31+s4], $0x3000, s5, s4, $0x38;
	[tilespmem:$0x1E400] =	vst v63  }
0x2f9: {  	_ =	swait.ge [sflag:s19], $0x3000  }
0x2fa: {  	[sflag:s19] =	ssyncset.done $0x0  }
0x2fb: {  	[sflag:s19] =	ssyncadd.s32 $0xFFFFD000  }
0x2fc: {  	_ =	swait.ge [sflag:s19], $0x3000  }
0x2fd: {  	[sflag:s19] =	ssyncset.done $0x0  }
0x2fe: {  	[sflag:s19] =	ssyncadd.s32 $0xFFFFD000  }
0x2ff: {  	_ =	swait.ge [sflag:s9], $0x3000  }
0x300: {  	[sflag:s9] =	ssyncset.done $0x0  }
0x301: {  	[sflag:s9] =	ssyncadd.s32 $0xFFFFD000  }
0x302: {  	_ =	swait.ge [sflag:s9], $0x3000  }
0x303: {  	s30 =	sld [smem:$0x7F7]  }
0x304: {  	[sflag:s9] =	ssyncset.done $0x0  }
0x305: {  	s31 =	sld [smem:$0x7F8];
	[sflag:s9] =	ssyncadd.s32 $0xFFFFD000  }
0x306: {  	[hbm4b:s30+s4] =	stream.strided.scatter [tilespmem:s17], [sflag:$0x3], $0x3000, s5, s4, $0x38;
	[tilespmem:$0x1E400] =	vst v63  }
0x307: {  	s30 =	sld [smem:$0x7F9]  }
0x308: {  	[hbm4b:s31+s4] =	stream.strided.scatter [tilespmem:s18], [sflag:$0x3], $0x3000, s5, s4, $0x38;
	[tilespmem:$0x1E400] =	vst v63  }
0x309: {  	s31 =	sld [smem:$0x7FA]  }
0x30a: {  	[tilespmem:s28], [sflag:$0x1] =	stream.strided.gather [hbm4b:s30+s4], $0x3000, s5, s4, $0x38;
	[tilespmem:$0x1E400] =	vst v63  }
0x30b: {  	_ = 	snop  }
0x30c: {  	[tilespmem:s29], [sflag:$0x1] =	stream.strided.gather [hbm4b:s31+s4], $0x3000, s5, s4, $0x38;
	[tilespmem:$0x1E400] =	vst v63  }
0x30d: {  	_ =	swait.ge [sflag:s13], $0x3000  }
0x30e: {  	[sflag:s13] =	ssyncset.done $0x0  }
0x30f: {  	[sflag:s13] =	ssyncadd.s32 $0xFFFFD000  }
0x310: {  	_ =	swait.ge [sflag:s13], $0x3000  }
0x311: {  	[sflag:s13] =	ssyncset.done $0x0  }
0x312: {  	[sflag:s13] =	ssyncadd.s32 $0xFFFFD000  }
0x313: {  	_ =	swait.ge [sflag:s6], $0x3000  }
0x314: {  	[sflag:s6] =	ssyncset.done $0x0  }
0x315: {  	[sflag:s6] =	ssyncadd.s32 $0xFFFFD000  }
0x316: {  	_ =	swait.ge [sflag:s6], $0x3000  }
0x317: {  	s30 =	sld [smem:$0x7FB]  }
0x318: {  	[sflag:s6] =	ssyncset.done $0x0  }
0x319: {  	s31 =	sld [smem:$0x7FC];
	[sflag:s6] =	ssyncadd.s32 $0xFFFFD000  }
0x31a: {  	[hbm4b:s30+s4] =	stream.strided.scatter [tilespmem:s10], [sflag:$0x4], $0x3000, s5, s4, $0x38;
	[tilespmem:$0x1E400] =	vst v63  }
0x31b: {  	s30 =	sld [smem:$0x7FD]  }
0x31c: {  	[hbm4b:s31+s4] =	stream.strided.scatter [tilespmem:s11], [sflag:$0x4], $0x3000, s5, s4, $0x38;
	[tilespmem:$0x1E400] =	vst v63  }
0x31d: {  	_ = 	snop  }
0x31e: {  	[tilespmem:s24], [sflag:$0x2] =	stream.strided.gather [hbm4b:s30+s4], $0x3000, s5, s4, $0x38;
	[tilespmem:$0x1E400] =	vst v63  }
0x31f: {  	_ = 	snop  }
0x320: {  	[tilespmem:s25], [sflag:$0x2] =	stream.strided.gather [hbm4b:s26+s4], $0x3000, s5, s4, $0x38;
	[tilespmem:$0x1E400] =	vst v63  }
0x321: {  	_ =	swait.ge [sflag:s19], $0x3000  }
0x322: {  	[sflag:s19] =	ssyncset.done $0x0  }
0x323: {  	[sflag:s19] =	ssyncadd.s32 $0xFFFFD000  }
0x324: {  	_ =	swait.ge [sflag:s19], $0x3000  }
0x325: {  	[sflag:s19] =	ssyncset.done $0x0  }
0x326: {  	[sflag:s19] =	ssyncadd.s32 $0xFFFFD000  }
0x327: {  	_ =	swait.ge [sflag:s9], $0x3000  }
0x328: {  	[sflag:s9] =	ssyncset.done $0x0  }
0x329: {  	[sflag:s9] =	ssyncadd.s32 $0xFFFFD000  }
0x32a: {  	_ =	swait.ge [sflag:s9], $0x3000  }
0x32b: {  	[sflag:s9] =	ssyncset.done $0x0  }
0x32c: {  	[sflag:s9] =	ssyncadd.s32 $0xFFFFD000  }
0x32d: {  	[hbm4b:s20+s4] =	stream.strided.scatter [tilespmem:s17], [sflag:$0x3], $0x3000, s5, s4, $0x38;
	[tilespmem:$0x1E400] =	vst v63  }
0x32e: {  	_ = 	snop  }
0x32f: {  	[hbm4b:s21+s4] =	stream.strided.scatter [tilespmem:s18], [sflag:$0x3], $0x3000, s5, s4, $0x38;
	[tilespmem:$0x1E400] =	vst v63  }
0x330: {  	_ = 	snop  }
0x331: {  	[tilespmem:s28], [sflag:$0x1] =	stream.strided.gather [hbm4b:s22+s4], $0x3000, s5, s4, $0x38;
	[tilespmem:$0x1E400] =	vst v63  }
0x332: {  	_ = 	snop  }
0x333: {  	[tilespmem:s29], [sflag:$0x1] =	stream.strided.gather [hbm4b:s23+s4], $0x3000, s5, s4, $0x38;
	[tilespmem:$0x1E400] =	vst v63  }
0x334: {  	_ =	swait.ge [sflag:s13], $0x3000  }
0x335: {  	[sflag:s13] =	ssyncset.done $0x0  }
0x336: {  	[sflag:s13] =	ssyncadd.s32 $0xFFFFD000  }
0x337: {  	_ =	swait.ge [sflag:s13], $0x3000  }
0x338: {  	[sflag:s13] =	ssyncset.done $0x0  }
0x339: {  	[sflag:s13] =	ssyncadd.s32 $0xFFFFD000  }
0x33a: {  	_ =	swait.ge [sflag:s6], $0x3000  }
0x33b: {  	[sflag:s6] =	ssyncset.done $0x0  }
0x33c: {  	[sflag:s6] =	ssyncadd.s32 $0xFFFFD000  }
0x33d: {  	_ =	swait.ge [sflag:s6], $0x3000  }
0x33e: {  	[sflag:s6] =	ssyncset.done $0x0  }
0x33f: {  	[sflag:s6] =	ssyncadd.s32 $0xFFFFD000  }
0x340: {  	[hbm4b:s12+s4] =	stream.strided.scatter [tilespmem:s10], [sflag:$0x4], $0x3000, s5, s4, $0x38;
	[tilespmem:$0x1E400] =	vst v63  }
0x341: {  	_ = 	snop  }
0x342: {  	[hbm4b:s14+s4] =	stream.strided.scatter [tilespmem:s11], [sflag:$0x4], $0x3000, s5, s4, $0x38;
	[tilespmem:$0x1E400] =	vst v63  }
0x343: {  	_ = 	snop  }
0x344: {  	[tilespmem:s24], [sflag:$0x2] =	stream.strided.gather [hbm4b:s15+s4], $0x3000, s5, s4, $0x38;
	[tilespmem:$0x1E400] =	vst v63  }
0x345: {  	_ = 	snop  }
0x346: {  	[tilespmem:s25], [sflag:$0x2] =	stream.strided.gather [hbm4b:s16+s4], $0x3000, s5, s4, $0x38;
	[tilespmem:$0x1E400] =	vst v63  }
0x347: {  	_ =	swait.ge [sflag:s19], $0x3000  }
0x348: {  	[sflag:s19] =	ssyncset.done $0x0  }
0x349: {  	[sflag:s19] =	ssyncadd.s32 $0xFFFFD000  }
0x34a: {  	_ =	swait.ge [sflag:s19], $0x3000  }
0x34b: {  	[sflag:s19] =	ssyncset.done $0x0  }
0x34c: {  	[sflag:s19] =	ssyncadd.s32 $0xFFFFD000  }
0x34d: {  	_ =	swait.ge [sflag:s9], $0x3000  }
0x34e: {  	[sflag:s9] =	ssyncset.done $0x0  }
0x34f: {  	[sflag:s9] =	ssyncadd.s32 $0xFFFFD000  }
0x350: {  	_ =	swait.ge [sflag:s9], $0x3000  }
0x351: {  	[sflag:s9] =	ssyncset.done $0x0  }
0x352: {  	[sflag:s9] =	ssyncadd.s32 $0xFFFFD000  }
0x353: {  	[hbm4b:s7+s4] =	stream.strided.scatter [tilespmem:s17], [sflag:$0x3], $0x3000, s5, s4, $0x38;
	[tilespmem:$0x1E400] =	vst v63  }
0x354: {  	_ = 	snop  }
0x355: {  	[hbm4b:s8+s4] =	stream.strided.scatter [tilespmem:s18], [sflag:$0x3], $0x3000, s5, s4, $0x38;
	[tilespmem:$0x1E400] =	vst v63  }
0x356: {  	_ =	swait.ge [sflag:s13], $0x3000  }
0x357: {  	[sflag:s13] =	ssyncset.done $0x0  }
0x358: {  	[sflag:s13] =	ssyncadd.s32 $0xFFFFD000  }
0x359: {  	_ =	swait.ge [sflag:s13], $0x3000  }
0x35a: {  	[sflag:s13] =	ssyncset.done $0x0  }
0x35b: {  	[sflag:s13] =	ssyncadd.s32 $0xFFFFD000  }
0x35c: {  	_ =	swait.ge [sflag:s6], $0x3000  }
0x35d: {  	[sflag:s6] =	ssyncset.done $0x0  }
0x35e: {  	[sflag:s6] =	ssyncadd.s32 $0xFFFFD000  }
0x35f: {  	_ =	swait.ge [sflag:s6], $0x3000  }
0x360: {  	[sflag:s6] =	ssyncset.done $0x0  }
0x361: {  	[sflag:s6] =	ssyncadd.s32 $0xFFFFD000  }
0x362: {  	[hbm4b:s2+s4] =	stream.strided.scatter [tilespmem:s10], [sflag:$0x4], $0x3000, s5, s4, $0x38;
	[tilespmem:$0x1E400] =	vst v63  }
0x363: {  	_ = 	snop  }
0x364: {  	[hbm4b:s3+s4] =	stream.strided.scatter [tilespmem:s11], [sflag:$0x4], $0x3000, s5, s4, $0x38;
	[tilespmem:$0x1E400] =	vst v63  }
0x365: {  	_ =	swait.ge [sflag:s9], $0x3000  }
0x366: {  	[sflag:s9] =	ssyncset.done $0x0  }
0x367: {  	[sflag:s9] =	ssyncadd.s32 $0xFFFFD000  }
0x368: {  	_ =	swait.ge [sflag:s9], $0x3000  }
0x369: {  	[sflag:s9] =	ssyncset.done $0x0  }
0x36a: {  	[sflag:s9] =	ssyncadd.s32 $0xFFFFD000  }
0x36b: {  	_ =	swait.ge [sflag:s6], $0x3000  }
0x36c: {  	[sflag:s6] =	ssyncset.done $0x0  }
0x36d: {  	[sflag:s6] =	ssyncadd.s32 $0xFFFFD000  }
0x36e: {  	_ =	swait.ge [sflag:s6], $0x3000  }
0x36f: {  	[sflag:s6] =	ssyncset.done $0x0  }
0x370: {  	[sflag:s6] =	ssyncadd.s32 $0xFFFFD000  }
0x371: {  	_ =	sfence.sel $0x180000  }
0x372: {  	[bflag:$0x0] =	sbarrier.arrive $0xFFFF  }
0x373: {  	_ =	strace $0x90000047  }
0x374: {  	s31 =	stileid.u32;
	[bflag:$0x2] =	sbarrier.arrive $0xFFFF  }
0x375: {  	p0 =	sne.s32 s31, $0x0;
	s0 =	rddreg [dreg:$0x3]  }
0x376: {  	s0 =	sadd.s32 @!p0 $0x100000, s0  }
0x377: {  	[sflag:s0] =	ssyncadd.tile.s32 @!p0 $0x1;
	_ =	shalt  }
.LBB2_1:
.Ltmp3:
0x378: {  	(pc) =	sbr.rel .LBB2_6-.Ltmp3, $2  }
0x379: {  	_ =	sdelay $0x2  }
0x37a: {  	s30 =	simm.s32 $0x0  }
.LBB2_3:
.Ltmp4:
0x37b: {  	(pc) =	sbr.rel .LBB2_6-.Ltmp4, $2  }
0x37c: {  	_ =	sdelay $0x2  }
0x37d: {  	s30 =	simm.s32 $0x0  }
.Lfunc_end2:
_tile_overlayer_lowered:
.L_overlay_start_2:
0x37e: {  	(tag) =	ssettag $0x2  }
0x37f: {  	s0 =	rddreg [dreg:$0x0];
	s2 =	stileid.u32  }
0x380: {  	s1 =	rddreg [dreg:$0x1];
	p0 =	sne.s32 s2, $0x0  }
0x381: {  	s3 =	rddreg [dreg:$0x2];
	[bflag:$0x3] =	sbarrier.arrive $0xFFFF;
	s2 =	simm.s32 @!p0 $0x1C05  }
0x382: {  	[timem:s3], [sflag:s2] =	dma.local @!p0 [hbm:s0], s1  }
0x383: {  	s0 =	simm.s32 @!p0 $0x5  }
0x384: {  	_ =	swait.ge @!p0 [sflag:s0], s1  }
0x385: {  	s1 =	ssub.s32 @!p0 $0x0, s1;
	[sflag:s0] =	ssyncset.done @!p0 $0x0  }
0x386: {  	[sflag:s0] =	ssyncadd.s32 @!p0 s1  }
0x387: {  	[bflag:$0x3] =	sbarrier.arrive $0xFFFF  }
0x388: {  	_ =	shalt  }

</sc_bundles>
